<compile_context>
chip_gen: v7x
topology: tpu7x:2x2x1
jax: 0.10.2.dev20260603
libtpu: 0.0.44.dev20260713+nightly
codegen_flags: <defaults>
</compile_context>

<pallas_src>
import functools

import jax
import jax.numpy as jnp
from jax import lax
from jax.experimental import pallas as pl
from jax.experimental.pallas import tpu as pltpu
from jax.experimental.pallas import tpu_sc as plsc

N = 10000
E = 320000
D = 128
NP = 10240

NC = 2
NS = 16
NW = NC * NS
EW = E // NW
K = 128
NFULL = EW // K
REM = EW - NFULL * K
RPT = NP // NS


def _sc_segment_sum(x, edge_index, zeros_acc):
  mesh = plsc.VectorSubcoreMesh(core_axis_name="c", subcore_axis_name="s")

  @functools.partial(
      pl.kernel,
      out_type=[
          jax.ShapeDtypeStruct((NC, NP, D), jnp.float32),
          jax.ShapeDtypeStruct((NW, NP), jnp.float32),
      ],
      mesh=mesh,
      scratch_types=[
          [pltpu.VMEM((K,), jnp.int32)] * 4,
          [pltpu.VMEM((K,), jnp.int32)] * 4,
          [pltpu.VMEM((K, D), jnp.float32)] * 2,
          pltpu.VMEM((NP,), jnp.float32),
          pltpu.VMEM((REM,), jnp.int32),
          pltpu.VMEM((REM,), jnp.int32),
          pltpu.VMEM((REM, D), jnp.float32),
          pltpu.VMEM_SHARED((NP, D), jnp.float32),
          [pltpu.SemaphoreType.DMA] * 2,
          [pltpu.SemaphoreType.DMA] * 2,
          [pltpu.SemaphoreType.DMA] * 4,
          pltpu.SemaphoreType.DMA,
      ],
      compiler_params=pltpu.CompilerParams(use_tc_tiling_on_sc=False,
                                           needs_layout_passes=False),
  )
  def k(x_hbm, edge_hbm, zacc_hbm, acc_out, deg_out,
        srcs, tgts, rowss, hist_v, src_r, tgt_r, rows_r,
        acc_s, gsems, ssems, isems, rsem):
    src_hbm = edge_hbm.at[1]
    tgt_hbm = edge_hbm.at[0]
    c = lax.axis_index("c")
    s = lax.axis_index("s")
    wid = c * NS + s

    zeros16 = jnp.zeros((16,), jnp.float32)
    ones16 = jnp.ones((16,), jnp.float32)

    def hist_update(tgt_b, groups):
      for g in range(groups):
        idx = tgt_b[pl.ds(g * 16, 16)]
        plsc.addupdate_scatter(hist_v, [idx], ones16)

    base = wid * EW
    r0 = s * RPT

    def idx_start(off, i):
      pltpu.async_copy(src_hbm.at[pl.ds(off, K)], srcs[i], isems[i])
      pltpu.async_copy(tgt_hbm.at[pl.ds(off, K)], tgts[i], isems[i])

    def idx_wait(i):
      pltpu.make_async_copy(src_hbm.at[pl.ds(0, K)], srcs[i],
                            isems[i]).wait()
      pltpu.make_async_copy(tgt_hbm.at[pl.ds(0, K)], tgts[i],
                            isems[i]).wait()

    def gather_start(r, i):
      pltpu.async_copy(x_hbm.at[srcs[i]], rowss[r], gsems[r])

    def gather_wait(r, i):
      pltpu.make_async_copy(x_hbm.at[srcs[i]], rowss[r], gsems[r]).wait()

    def scatter_start(r, i):
      pltpu.async_copy(rowss[r], acc_s.at[tgts[i]], ssems[r], add=True)

    def scatter_wait(r, i):
      pltpu.make_async_copy(rowss[r], acc_s.at[tgts[i]], ssems[r]).wait()

    idx_start(base, 0)
    idx_start(base + K, 1)
    pltpu.async_copy(zacc_hbm, acc_s.at[pl.ds(r0, RPT)], rsem)
    idx_wait(0)
    gather_start(0, 0)

    def zero_hist(i, _):
      hist_v[pl.ds(i * 16, 16)] = zeros16
      return 0
    lax.fori_loop(0, NP // 16, zero_hist, 0)

    pltpu.make_async_copy(zacc_hbm, acc_s.at[pl.ds(r0, RPT)], rsem).wait()
    plsc.subcore_barrier()

    def emit_step(j_expr, u, has_next, has_next2):
      r, i = u % 2, u % 4
      if has_next2:
        idx_start(j_expr + 2 * K, (u + 2) % 4)
      gather_wait(r, i)
      if has_next:
        idx_wait((u + 1) % 4)
        gather_start((u + 1) % 2, (u + 1) % 4)
      scatter_start(r, i)
      hist_update(tgts[i], K // 16)
      scatter_wait(r, i)

    for u in range(4):
      emit_step(base + u * K, u, u + 1 < NFULL, u + 2 < NFULL)

    def group(t, _):
      j0 = base + 4 * t * K
      for u in range(4):
        emit_step(j0 + u * K, u, True, True)
      return 0
    lax.fori_loop(1, NFULL // 4, group, 0)

    for u in range(4 * (NFULL // 4), NFULL):
      emit_step(base + u * K, u % 4, u + 1 < NFULL, u + 2 < NFULL)

    off_r = base + NFULL * K
    pltpu.sync_copy(src_hbm.at[pl.ds(off_r, REM)], src_r)
    pltpu.sync_copy(tgt_hbm.at[pl.ds(off_r, REM)], tgt_r)
    pltpu.async_copy(x_hbm.at[src_r], rows_r, rsem).wait()
    pltpu.sync_copy(rows_r, acc_s.at[tgt_r], add=True)
    hist_update(tgt_r, REM // 16)

    pltpu.sync_copy(hist_v, deg_out.at[wid])
    plsc.subcore_barrier()
    pltpu.sync_copy(acc_s.at[pl.ds(r0, RPT)], acc_out.at[c, pl.ds(r0, RPT)])

  return k(x, edge_index, zeros_acc)


BLK = 2048



H = 2 * D


def _dotg(lhs, rhs, l_dim, r_dim):
  return lax.dot_general(lhs, rhs, (((l_dim,), (r_dim,)), ((), ())),
                         preferred_element_type=jnp.float32)


def _tc_pre_kernel(x_ref, wm_ref, bm_ref, w1_ref, b1_ref, qa_ref, r_ref,
                   a_ref):
  f32 = jnp.float32
  xv = x_ref[...]
  wm = wm_ref[...]
  w1a = w1_ref[0:3 * D]
  q = jnp.dot(xv, wm[D:], preferred_element_type=f32) + bm_ref[...]
  qa_ref[...] = jnp.dot(q, w1a, preferred_element_type=f32)
  r_ref[...] = jnp.dot(xv, w1_ref[3 * D:], preferred_element_type=f32) \
      + b1_ref[...]
  @pl.when(pl.program_id(0) == 0)
  def _():
    a_ref[...] = jnp.dot(wm[:D], w1a, preferred_element_type=f32)


def _tc_pre(x, W_msg, b_msg, W_u1, b_u1):
  grid = (NP // BLK,)
  full = lambda *shape: pl.BlockSpec(shape, lambda i: (0,) * len(shape))
  return pl.pallas_call(
      _tc_pre_kernel,
      grid=grid,
      in_specs=[
          pl.BlockSpec((BLK, D), lambda i: (i, 0)),
          full(2 * D, 3 * D),
          full(1, 3 * D),
          full(4 * D, H),
          full(1, H),
      ],
      out_specs=[
          pl.BlockSpec((BLK, H), lambda i: (i, 0)),
          pl.BlockSpec((BLK, H), lambda i: (i, 0)),
          full(D, H),
      ],
      out_shape=[
          jax.ShapeDtypeStruct((NP, H), jnp.float32),
          jax.ShapeDtypeStruct((NP, H), jnp.float32),
          jax.ShapeDtypeStruct((D, H), jnp.float32),
      ],
  )(x, W_msg, b_msg, W_u1, b_u1)


def _tc_post_kernel(acc_ref, deg_ref, x_ref, qa_ref, r_ref, a_ref, w2_ref,
                    b2_ref, out_ref):
  f32 = jnp.float32
  S = acc_ref[0] + acc_ref[1]
  deg = _dotg(deg_ref[...], jnp.ones((NW, 1), f32), 0, 0)
  h = jnp.dot(S, a_ref[...], preferred_element_type=f32) \
      + deg * qa_ref[...] + r_ref[...]
  h = jnp.maximum(h, 0.0)
  out_ref[...] = x_ref[...] \
      + jnp.dot(h, w2_ref[...], preferred_element_type=f32) + b2_ref[...]


def _tc_post(acc, deg, x, qa, r, a, W_u2, b_u2):
  grid = (NP // BLK,)
  full = lambda *shape: pl.BlockSpec(shape, lambda i: (0,) * len(shape))
  return pl.pallas_call(
      _tc_post_kernel,
      grid=grid,
      in_specs=[
          pl.BlockSpec((NC, BLK, D), lambda i: (0, i, 0)),
          pl.BlockSpec((NW, BLK), lambda i: (0, i)),
          pl.BlockSpec((BLK, D), lambda i: (i, 0)),
          pl.BlockSpec((BLK, H), lambda i: (i, 0)),
          pl.BlockSpec((BLK, H), lambda i: (i, 0)),
          full(D, H),
          full(H, D),
          full(1, D),
      ],
      out_specs=pl.BlockSpec((BLK, D), lambda i: (i, 0)),
      out_shape=jax.ShapeDtypeStruct((N, D), jnp.float32),
  )(acc, deg, x, qa, r, a, W_u2, b_u2)


def kernel(x, edge_index, W_msg, b_msg, W_u1, b_u1, W_u2, b_u2):
  zeros_acc = jnp.zeros((RPT, D), jnp.float32)
  acc, deg = _sc_segment_sum(x, edge_index, zeros_acc)
  qa, r, a = _tc_pre(x, W_msg, b_msg.reshape(1, -1), W_u1,
                     b_u1.reshape(1, -1))
  return _tc_post(acc, deg, x, qa, r, a, W_u2, b_u2.reshape(1, -1))

# --- scband reference (transcript-rebuilt; emitter-appended) ---
"""Pipeline reference for scband-gembconv-43834436223106 (READ-ONLY COPY).

The authoritative reference and input builder live on the scoring server;
editing this copy changes nothing except your own understanding.
"""

import jax, jax.numpy as jnp
import numpy as np

N = 10000
E = 320000
D = 128
MSG_IN = 2 * D      # 256
MSG_OUT = 3 * D     # 384 (must equal 3*D so cat(messages, x) == 4*D for update net)
UPD_IN = 4 * D      # 512
UPD_HID = 256


def setup_inputs(seed: int = 0) -> dict:
    key = jax.random.key(seed)
    ks = jax.random.split(key, 9)
    x = jax.random.normal(ks[0], (N, D), dtype=jnp.float32)
    edge_index = jax.random.randint(ks[1], (2, E), 0, N, dtype=jnp.int32)
    # message net: Linear(2D -> 3D)
    W_msg = jax.random.normal(ks[2], (MSG_IN, MSG_OUT), dtype=jnp.float32) * (1.0 / np.sqrt(MSG_IN))
    b_msg = jnp.zeros((MSG_OUT,), dtype=jnp.float32)
    # update net: Linear(4D -> 256) -> ReLU -> Linear(256 -> D)
    W_u1 = jax.random.normal(ks[3], (UPD_IN, UPD_HID), dtype=jnp.float32) * (1.0 / np.sqrt(UPD_IN))
    b_u1 = jnp.zeros((UPD_HID,), dtype=jnp.float32)
    W_u2 = jax.random.normal(ks[4], (UPD_HID, D), dtype=jnp.float32) * (1.0 / np.sqrt(UPD_HID))
    b_u2 = jnp.zeros((D,), dtype=jnp.float32)
    return {"x": x, "edge_index": edge_index, "W_msg": W_msg, "b_msg": b_msg,
            "W_u1": W_u1, "b_u1": b_u1, "W_u2": W_u2, "b_u2": b_u2}


def reference(x, edge_index, W_msg, b_msg, W_u1, b_u1, W_u2, b_u2):
    target_idx = edge_index[0]
    source_idx = edge_index[1]
    # message_aggr: cat(x[src], x[tgt]) -> message MLP -> scatter-add to target nodes
    message_inputs = jnp.concatenate([jnp.take(x, source_idx, axis=0),
                                      jnp.take(x, target_idx, axis=0)], axis=-1)
    messages = message_inputs @ W_msg + b_msg
    aggregation = jax.ops.segment_sum(messages, target_idx, num_segments=x.shape[0])
    # node_update (RESIDUAL): cat(messages, x) -> update MLP -> x + new_x
    update_inputs = jnp.concatenate([aggregation, x], axis=-1)
    h = jax.nn.relu(update_inputs @ W_u1 + b_u1)
    new_x = h @ W_u2 + b_u2
    return x + new_x

if __name__ == "__main__":
    import jax
    _d = setup_inputs()
    print(jax.jit(kernel)(*tuple(_d.values())))

</pallas_src>

<mosaic_0001>
#map = affine_map<(d0, d1) -> (0, 0)>
#map1 = affine_map<(d0, d1) -> (0, 0, 0)>
module attributes {stable_mosaic.version = 14 : i64} {
  func.func @k(%arg0: i32, %arg1: i32, %arg2: memref<10000x128xf32, #tpu.memory_space<hbm>>, %arg3: memref<2x320000xi32, #tpu.memory_space<hbm>>, %arg4: memref<640x128xf32, #tpu.memory_space<hbm>>, %arg5: memref<2x10240x128xf32, #tpu.memory_space<hbm>>, %arg6: memref<32x10240xf32, #tpu.memory_space<hbm>>, %arg7: memref<128xi32, #tpu.memory_space<vmem>>, %arg8: memref<128xi32, #tpu.memory_space<vmem>>, %arg9: memref<128xi32, #tpu.memory_space<vmem>>, %arg10: memref<128xi32, #tpu.memory_space<vmem>>, %arg11: memref<128xi32, #tpu.memory_space<vmem>>, %arg12: memref<128xi32, #tpu.memory_space<vmem>>, %arg13: memref<128xi32, #tpu.memory_space<vmem>>, %arg14: memref<128xi32, #tpu.memory_space<vmem>>, %arg15: memref<128x128xf32, #tpu.memory_space<vmem>>, %arg16: memref<128x128xf32, #tpu.memory_space<vmem>>, %arg17: memref<10240xf32, #tpu.memory_space<vmem>>, %arg18: memref<16xi32, #tpu.memory_space<vmem>>, %arg19: memref<16xi32, #tpu.memory_space<vmem>>, %arg20: memref<16x128xf32, #tpu.memory_space<vmem>>, %arg21: memref<10240x128xf32, #tpu.memory_space<vmem_shared>>, %arg22: memref<!tpu.dma_semaphore, #tpu.memory_space<semaphore_mem>>, %arg23: memref<!tpu.dma_semaphore, #tpu.memory_space<semaphore_mem>>, %arg24: memref<!tpu.dma_semaphore, #tpu.memory_space<semaphore_mem>>, %arg25: memref<!tpu.dma_semaphore, #tpu.memory_space<semaphore_mem>>, %arg26: memref<!tpu.dma_semaphore, #tpu.memory_space<semaphore_mem>>, %arg27: memref<!tpu.dma_semaphore, #tpu.memory_space<semaphore_mem>>, %arg28: memref<!tpu.dma_semaphore, #tpu.memory_space<semaphore_mem>>, %arg29: memref<!tpu.dma_semaphore, #tpu.memory_space<semaphore_mem>>, %arg30: memref<!tpu.dma_semaphore, #tpu.memory_space<semaphore_mem>>) attributes {dimension_semantics = [#tpu.dimension_semantics<core_parallel>, #tpu.dimension_semantics<subcore_parallel>], iteration_bounds = array<i64: 2, 16>, scalar_prefetch = 0 : i64, scratch_operands = 24 : i64, tpu.core_type = #tpu.core_type<sc_vector_subcore>, window_params = [{transform_indices = #map}, {transform_indices = #map}, {transform_indices = #map}, {transform_indices = #map1}, {transform_indices = #map}]} {
    %mul3A = arith.constant 16 : i32
    %mul3A_0 = arith.muli %arg0, %mul3A : i32
    %add3A = arith.addi %mul3A_0, %arg1 : i32
    %broadcast_in_dim3A = arith.constant 0.000000e+00 : f32
    %broadcast_in_dim3A_1 = vector.broadcast %broadcast_in_dim3A : f32 to vector<16xf32>
    %broadcast_in_dim3A_2 = arith.constant 1.000000e+00 : f32
    %broadcast_in_dim3A_3 = vector.broadcast %broadcast_in_dim3A_2 : f32 to vector<16xf32>
    %mul3A_4 = arith.constant 10000 : i32
    %mul3A_5 = arith.muli %add3A, %mul3A_4 : i32
    %mul3A_6 = arith.constant 640 : i32
    %mul3A_7 = arith.muli %arg1, %mul3A_6 : i32
    %dma_start3A = arith.constant 1 : i32
    %dma_start3A_8 = arith.constant 0 : i32
    %dma_start3A_9 = tpu.memref_slice %arg3[%dma_start3A, %dma_start3A_8] : memref<2x320000xi32, #tpu.memory_space<hbm>> -> memref<1x320000xi32, #tpu.memory_space<hbm>>
    %dma_start3A_10 = tpu.memref_squeeze %dma_start3A_9 : memref<1x320000xi32, #tpu.memory_space<hbm>> -> memref<320000xi32, #tpu.memory_space<hbm>>
    %dma_start3A_11 = tpu.memref_slice %dma_start3A_10[%mul3A_5] : memref<320000xi32, #tpu.memory_space<hbm>> -> memref<128xi32, #tpu.memory_space<hbm>>
    %dma_start3A_12 = arith.constant 0 : i32
    %dma_start3A_13 = tpu.memref_slice %arg3[%dma_start3A, %dma_start3A_12] : memref<2x320000xi32, #tpu.memory_space<hbm>> -> memref<1x320000xi32, #tpu.memory_space<hbm>>
    %dma_start3A_14 = tpu.memref_squeeze %dma_start3A_13 : memref<1x320000xi32, #tpu.memory_space<hbm>> -> memref<320000xi32, #tpu.memory_space<hbm>>
    %dma_start3A_15 = tpu.memref_slice %dma_start3A_14[%mul3A_5] : memref<320000xi32, #tpu.memory_space<hbm>> -> memref<128xi32, #tpu.memory_space<hbm>>
    tpu.enqueue_dma source(%dma_start3A_15 : memref<128xi32, #tpu.memory_space<hbm>>) target(%arg7 : memref<128xi32, #tpu.memory_space<vmem>>) target_semaphore(%arg26 : memref<!tpu.dma_semaphore, #tpu.memory_space<semaphore_mem>>)
    %dma_start3A_16 = arith.constant 0 : i32
    %dma_start3A_17 = arith.constant 0 : i32
    %dma_start3A_18 = tpu.memref_slice %arg3[%dma_start3A_16, %dma_start3A_17] : memref<2x320000xi32, #tpu.memory_space<hbm>> -> memref<1x320000xi32, #tpu.memory_space<hbm>>
    %dma_start3A_19 = tpu.memref_squeeze %dma_start3A_18 : memref<1x320000xi32, #tpu.memory_space<hbm>> -> memref<320000xi32, #tpu.memory_space<hbm>>
    %dma_start3A_20 = tpu.memref_slice %dma_start3A_19[%mul3A_5] : memref<320000xi32, #tpu.memory_space<hbm>> -> memref<128xi32, #tpu.memory_space<hbm>>
    %dma_start3A_21 = arith.constant 0 : i32
    %dma_start3A_22 = tpu.memref_slice %arg3[%dma_start3A_16, %dma_start3A_21] : memref<2x320000xi32, #tpu.memory_space<hbm>> -> memref<1x320000xi32, #tpu.memory_space<hbm>>
    %dma_start3A_23 = tpu.memref_squeeze %dma_start3A_22 : memref<1x320000xi32, #tpu.memory_space<hbm>> -> memref<320000xi32, #tpu.memory_space<hbm>>
    %dma_start3A_24 = tpu.memref_slice %dma_start3A_23[%mul3A_5] : memref<320000xi32, #tpu.memory_space<hbm>> -> memref<128xi32, #tpu.memory_space<hbm>>
    tpu.enqueue_dma source(%dma_start3A_24 : memref<128xi32, #tpu.memory_space<hbm>>) target(%arg11 : memref<128xi32, #tpu.memory_space<vmem>>) target_semaphore(%arg26 : memref<!tpu.dma_semaphore, #tpu.memory_space<semaphore_mem>>)
    %add3A_25 = arith.constant 128 : i32
    %add3A_26 = arith.addi %mul3A_5, %add3A_25 : i32
    %dma_start3A_27 = arith.constant 1 : i32
    %dma_start3A_28 = arith.constant 0 : i32
    %dma_start3A_29 = tpu.memref_slice %arg3[%dma_start3A_27, %dma_start3A_28] : memref<2x320000xi32, #tpu.memory_space<hbm>> -> memref<1x320000xi32, #tpu.memory_space<hbm>>
    %dma_start3A_30 = tpu.memref_squeeze %dma_start3A_29 : memref<1x320000xi32, #tpu.memory_space<hbm>> -> memref<320000xi32, #tpu.memory_space<hbm>>
    %dma_start3A_31 = tpu.memref_slice %dma_start3A_30[%add3A_26] : memref<320000xi32, #tpu.memory_space<hbm>> -> memref<128xi32, #tpu.memory_space<hbm>>
    %dma_start3A_32 = arith.constant 0 : i32
    %dma_start3A_33 = tpu.memref_slice %arg3[%dma_start3A_27, %dma_start3A_32] : memref<2x320000xi32, #tpu.memory_space<hbm>> -> memref<1x320000xi32, #tpu.memory_space<hbm>>
    %dma_start3A_34 = tpu.memref_squeeze %dma_start3A_33 : memref<1x320000xi32, #tpu.memory_space<hbm>> -> memref<320000xi32, #tpu.memory_space<hbm>>
    %dma_start3A_35 = tpu.memref_slice %dma_start3A_34[%add3A_26] : memref<320000xi32, #tpu.memory_space<hbm>> -> memref<128xi32, #tpu.memory_space<hbm>>
    tpu.enqueue_dma source(%dma_start3A_35 : memref<128xi32, #tpu.memory_space<hbm>>) target(%arg8 : memref<128xi32, #tpu.memory_space<vmem>>) target_semaphore(%arg27 : memref<!tpu.dma_semaphore, #tpu.memory_space<semaphore_mem>>)
    %dma_start3A_36 = arith.constant 0 : i32
    %dma_start3A_37 = arith.constant 0 : i32
    %dma_start3A_38 = tpu.memref_slice %arg3[%dma_start3A_36, %dma_start3A_37] : memref<2x320000xi32, #tpu.memory_space<hbm>> -> memref<1x320000xi32, #tpu.memory_space<hbm>>
    %dma_start3A_39 = tpu.memref_squeeze %dma_start3A_38 : memref<1x320000xi32, #tpu.memory_space<hbm>> -> memref<320000xi32, #tpu.memory_space<hbm>>
    %dma_start3A_40 = tpu.memref_slice %dma_start3A_39[%add3A_26] : memref<320000xi32, #tpu.memory_space<hbm>> -> memref<128xi32, #tpu.memory_space<hbm>>
    %dma_start3A_41 = arith.constant 0 : i32
    %dma_start3A_42 = tpu.memref_slice %arg3[%dma_start3A_36, %dma_start3A_41] : memref<2x320000xi32, #tpu.memory_space<hbm>> -> memref<1x320000xi32, #tpu.memory_space<hbm>>
    %dma_start3A_43 = tpu.memref_squeeze %dma_start3A_42 : memref<1x320000xi32, #tpu.memory_space<hbm>> -> memref<320000xi32, #tpu.memory_space<hbm>>
    %dma_start3A_44 = tpu.memref_slice %dma_start3A_43[%add3A_26] : memref<320000xi32, #tpu.memory_space<hbm>> -> memref<128xi32, #tpu.memory_space<hbm>>
    tpu.enqueue_dma source(%dma_start3A_44 : memref<128xi32, #tpu.memory_space<hbm>>) target(%arg12 : memref<128xi32, #tpu.memory_space<vmem>>) target_semaphore(%arg27 : memref<!tpu.dma_semaphore, #tpu.memory_space<semaphore_mem>>)
    %dma_start3A_45 = arith.constant 0 : i32
    %dma_start3A_46 = tpu.memref_slice %arg21[%mul3A_7, %dma_start3A_45] : memref<10240x128xf32, #tpu.memory_space<vmem_shared>> -> memref<640x128xf32, #tpu.memory_space<vmem_shared>>
    tpu.enqueue_dma source(%arg4 : memref<640x128xf32, #tpu.memory_space<hbm>>) target(%dma_start3A_46 : memref<640x128xf32, #tpu.memory_space<vmem_shared>>) target_semaphore(%arg30 : memref<!tpu.dma_semaphore, #tpu.memory_space<semaphore_mem>>)
    %dma_wait3A = arith.constant 1 : i32
    %dma_wait3A_47 = arith.constant 0 : i32
    %dma_wait3A_48 = tpu.memref_slice %arg3[%dma_wait3A, %dma_wait3A_47] : memref<2x320000xi32, #tpu.memory_space<hbm>> -> memref<1x320000xi32, #tpu.memory_space<hbm>>
    %dma_wait3A_49 = tpu.memref_squeeze %dma_wait3A_48 : memref<1x320000xi32, #tpu.memory_space<hbm>> -> memref<320000xi32, #tpu.memory_space<hbm>>
    %dma_wait3A_50 = arith.constant 0 : i32
    %dma_wait3A_51 = tpu.memref_slice %dma_wait3A_49[%dma_wait3A_50] : memref<320000xi32, #tpu.memory_space<hbm>> -> memref<128xi32, #tpu.memory_space<hbm>>
    %dma_wait3A_52 = arith.constant 0 : i32
    %dma_wait3A_53 = tpu.memref_slice %arg3[%dma_wait3A, %dma_wait3A_52] : memref<2x320000xi32, #tpu.memory_space<hbm>> -> memref<1x320000xi32, #tpu.memory_space<hbm>>
    %dma_wait3A_54 = tpu.memref_squeeze %dma_wait3A_53 : memref<1x320000xi32, #tpu.memory_space<hbm>> -> memref<320000xi32, #tpu.memory_space<hbm>>
    %dma_wait3A_55 = arith.constant 0 : i32
    %dma_wait3A_56 = tpu.memref_slice %dma_wait3A_54[%dma_wait3A_55] : memref<320000xi32, #tpu.memory_space<hbm>> -> memref<128xi32, #tpu.memory_space<hbm>>
    tpu.wait_dma2 semaphore(%arg26 : memref<!tpu.dma_semaphore, #tpu.memory_space<semaphore_mem>>) src(%dma_wait3A_56 : memref<128xi32, #tpu.memory_space<hbm>>) dst(%arg7 : memref<128xi32, #tpu.memory_space<vmem>>)
    %dma_wait3A_57 = arith.constant 0 : i32
    %dma_wait3A_58 = arith.constant 0 : i32
    %dma_wait3A_59 = tpu.memref_slice %arg3[%dma_wait3A_57, %dma_wait3A_58] : memref<2x320000xi32, #tpu.memory_space<hbm>> -> memref<1x320000xi32, #tpu.memory_space<hbm>>
    %dma_wait3A_60 = tpu.memref_squeeze %dma_wait3A_59 : memref<1x320000xi32, #tpu.memory_space<hbm>> -> memref<320000xi32, #tpu.memory_space<hbm>>
    %dma_wait3A_61 = arith.constant 0 : i32
    %dma_wait3A_62 = tpu.memref_slice %dma_wait3A_60[%dma_wait3A_61] : memref<320000xi32, #tpu.memory_space<hbm>> -> memref<128xi32, #tpu.memory_space<hbm>>
    %dma_wait3A_63 = arith.constant 0 : i32
    %dma_wait3A_64 = tpu.memref_slice %arg3[%dma_wait3A_57, %dma_wait3A_63] : memref<2x320000xi32, #tpu.memory_space<hbm>> -> memref<1x320000xi32, #tpu.memory_space<hbm>>
    %dma_wait3A_65 = tpu.memref_squeeze %dma_wait3A_64 : memref<1x320000xi32, #tpu.memory_space<hbm>> -> memref<320000xi32, #tpu.memory_space<hbm>>
    %dma_wait3A_66 = arith.constant 0 : i32
    %dma_wait3A_67 = tpu.memref_slice %dma_wait3A_65[%dma_wait3A_66] : memref<320000xi32, #tpu.memory_space<hbm>> -> memref<128xi32, #tpu.memory_space<hbm>>
    tpu.wait_dma2 semaphore(%arg26 : memref<!tpu.dma_semaphore, #tpu.memory_space<semaphore_mem>>) src(%dma_wait3A_67 : memref<128xi32, #tpu.memory_space<hbm>>) dst(%arg11 : memref<128xi32, #tpu.memory_space<vmem>>)
    %dma_start3A_68 = arith.constant 0 : i32
    %dma_start3A_69 = arith.constant 0 : i32
    %dma_start3A_70 = tpu.memref_slice %arg2[%dma_start3A_68, %dma_start3A_69] : memref<10000x128xf32, #tpu.memory_space<hbm>> -> memref<10000x128xf32, #tpu.memory_space<hbm>>
    tpu.enqueue_indirect_dma source(%dma_start3A_70 : memref<10000x128xf32, #tpu.memory_space<hbm>>) target(%arg15 : memref<128x128xf32, #tpu.memory_space<vmem>>) offsets(%arg7 : memref<128xi32, #tpu.memory_space<vmem>>) semaphore(%arg22 : memref<!tpu.dma_semaphore, #tpu.memory_space<semaphore_mem>>)
    %scan3A = arith.constant 0 : i32
    %scan3A_71 = arith.constant 0 : i32
    %scan3A_72 = arith.constant 640 : i32
    %scan3A_73 = arith.addi %scan3A_71, %scan3A_72 : i32
    %scan3A_74 = arith.constant 1 : i32
    %scan3A_75 = scf.for %scan3A_466 = %scan3A_71 to %scan3A_73 step %scan3A_74 iter_args(%scan3A_467 = %scan3A) -> (i32)  : i32 {
      %mul3A_468 = arith.constant 16 : i32
      %mul3A_469 = arith.muli %scan3A_466, %mul3A_468 : i32
      %swap3A = arith.index_cast %mul3A_469 : i32 to index
      %swap3A_470 = tpu.vector_load %arg17[%swap3A] {strides = array<i32>} : memref<10240xf32, #tpu.memory_space<vmem>>, vector<16xf32>,
      tpu.vector_store %arg17[%swap3A], %broadcast_in_dim3A_1 {strides = array<i32>} : memref<10240xf32, #tpu.memory_space<vmem>>, vector<16xf32>,
      %scan3A_471 = arith.constant 0 : i32
      scf.yield %scan3A_471 : i32
    }
    %scan3A_76 = arith.constant 640 : i32
    %dma_wait3A_77 = arith.constant 0 : i32
    %dma_wait3A_78 = tpu.memref_slice %arg21[%mul3A_7, %dma_wait3A_77] : memref<10240x128xf32, #tpu.memory_space<vmem_shared>> -> memref<640x128xf32, #tpu.memory_space<vmem_shared>>
    tpu.wait_dma2 semaphore(%arg30 : memref<!tpu.dma_semaphore, #tpu.memory_space<semaphore_mem>>) src(%arg4 : memref<640x128xf32, #tpu.memory_space<hbm>>) dst(%dma_wait3A_78 : memref<640x128xf32, #tpu.memory_space<vmem_shared>>)
    %barrier3A = arith.constant 0 : index
    tpu.barrier barrier_id(%barrier3A)
    %add3A_79 = arith.constant 0 : i32
    %add3A_80 = arith.addi %mul3A_5, %add3A_79 : i32
    %add3A_81 = arith.constant 256 : i32
    %add3A_82 = arith.addi %add3A_80, %add3A_81 : i32
    %dma_start3A_83 = arith.constant 1 : i32
    %dma_start3A_84 = arith.constant 0 : i32
    %dma_start3A_85 = tpu.memref_slice %arg3[%dma_start3A_83, %dma_start3A_84] : memref<2x320000xi32, #tpu.memory_space<hbm>> -> memref<1x320000xi32, #tpu.memory_space<hbm>>
    %dma_start3A_86 = tpu.memref_squeeze %dma_start3A_85 : memref<1x320000xi32, #tpu.memory_space<hbm>> -> memref<320000xi32, #tpu.memory_space<hbm>>
    %dma_start3A_87 = tpu.memref_slice %dma_start3A_86[%add3A_82] : memref<320000xi32, #tpu.memory_space<hbm>> -> memref<128xi32, #tpu.memory_space<hbm>>
    %dma_start3A_88 = arith.constant 0 : i32
    %dma_start3A_89 = tpu.memref_slice %arg3[%dma_start3A_83, %dma_start3A_88] : memref<2x320000xi32, #tpu.memory_space<hbm>> -> memref<1x320000xi32, #tpu.memory_space<hbm>>
    %dma_start3A_90 = tpu.memref_squeeze %dma_start3A_89 : memref<1x320000xi32, #tpu.memory_space<hbm>> -> memref<320000xi32, #tpu.memory_space<hbm>>
    %dma_start3A_91 = tpu.memref_slice %dma_start3A_90[%add3A_82] : memref<320000xi32, #tpu.memory_space<hbm>> -> memref<128xi32, #tpu.memory_space<hbm>>
    tpu.enqueue_dma source(%dma_start3A_91 : memref<128xi32, #tpu.memory_space<hbm>>) target(%arg9 : memref<128xi32, #tpu.memory_space<vmem>>) target_semaphore(%arg28 : memref<!tpu.dma_semaphore, #tpu.memory_space<semaphore_mem>>)
    %dma_start3A_92 = arith.constant 0 : i32
    %dma_start3A_93 = arith.constant 0 : i32
    %dma_start3A_94 = tpu.memref_slice %arg3[%dma_start3A_92, %dma_start3A_93] : memref<2x320000xi32, #tpu.memory_space<hbm>> -> memref<1x320000xi32, #tpu.memory_space<hbm>>
    %dma_start3A_95 = tpu.memref_squeeze %dma_start3A_94 : memref<1x320000xi32, #tpu.memory_space<hbm>> -> memref<320000xi32, #tpu.memory_space<hbm>>
    %dma_start3A_96 = tpu.memref_slice %dma_start3A_95[%add3A_82] : memref<320000xi32, #tpu.memory_space<hbm>> -> memref<128xi32, #tpu.memory_space<hbm>>
    %dma_start3A_97 = arith.constant 0 : i32
    %dma_start3A_98 = tpu.memref_slice %arg3[%dma_start3A_92, %dma_start3A_97] : memref<2x320000xi32, #tpu.memory_space<hbm>> -> memref<1x320000xi32, #tpu.memory_space<hbm>>
    %dma_start3A_99 = tpu.memref_squeeze %dma_start3A_98 : memref<1x320000xi32, #tpu.memory_space<hbm>> -> memref<320000xi32, #tpu.memory_space<hbm>>
    %dma_start3A_100 = tpu.memref_slice %dma_start3A_99[%add3A_82] : memref<320000xi32, #tpu.memory_space<hbm>> -> memref<128xi32, #tpu.memory_space<hbm>>
    tpu.enqueue_dma source(%dma_start3A_100 : memref<128xi32, #tpu.memory_space<hbm>>) target(%arg13 : memref<128xi32, #tpu.memory_space<vmem>>) target_semaphore(%arg28 : memref<!tpu.dma_semaphore, #tpu.memory_space<semaphore_mem>>)
    %dma_wait3A_101 = arith.constant 0 : i32
    %dma_wait3A_102 = arith.constant 0 : i32
    %dma_wait3A_103 = tpu.memref_slice %arg2[%dma_wait3A_101, %dma_wait3A_102] : memref<10000x128xf32, #tpu.memory_space<hbm>> -> memref<10000x128xf32, #tpu.memory_space<hbm>>
    tpu.wait_indirect_dma semaphore(%arg22 : memref<!tpu.dma_semaphore, #tpu.memory_space<semaphore_mem>>) src(%dma_wait3A_103 : memref<10000x128xf32, #tpu.memory_space<hbm>>) dst(%arg15 : memref<128x128xf32, #tpu.memory_space<vmem>>)
    %dma_wait3A_104 = arith.constant 1 : i32
    %dma_wait3A_105 = arith.constant 0 : i32
    %dma_wait3A_106 = tpu.memref_slice %arg3[%dma_wait3A_104, %dma_wait3A_105] : memref<2x320000xi32, #tpu.memory_space<hbm>> -> memref<1x320000xi32, #tpu.memory_space<hbm>>
    %dma_wait3A_107 = tpu.memref_squeeze %dma_wait3A_106 : memref<1x320000xi32, #tpu.memory_space<hbm>> -> memref<320000xi32, #tpu.memory_space<hbm>>
    %dma_wait3A_108 = arith.constant 0 : i32
    %dma_wait3A_109 = tpu.memref_slice %dma_wait3A_107[%dma_wait3A_108] : memref<320000xi32, #tpu.memory_space<hbm>> -> memref<128xi32, #tpu.memory_space<hbm>>
    %dma_wait3A_110 = arith.constant 0 : i32
    %dma_wait3A_111 = tpu.memref_slice %arg3[%dma_wait3A_104, %dma_wait3A_110] : memref<2x320000xi32, #tpu.memory_space<hbm>> -> memref<1x320000xi32, #tpu.memory_space<hbm>>
    %dma_wait3A_112 = tpu.memref_squeeze %dma_wait3A_111 : memref<1x320000xi32, #tpu.memory_space<hbm>> -> memref<320000xi32, #tpu.memory_space<hbm>>
    %dma_wait3A_113 = arith.constant 0 : i32
    %dma_wait3A_114 = tpu.memref_slice %dma_wait3A_112[%dma_wait3A_113] : memref<320000xi32, #tpu.memory_space<hbm>> -> memref<128xi32, #tpu.memory_space<hbm>>
    tpu.wait_dma2 semaphore(%arg27 : memref<!tpu.dma_semaphore, #tpu.memory_space<semaphore_mem>>) src(%dma_wait3A_114 : memref<128xi32, #tpu.memory_space<hbm>>) dst(%arg8 : memref<128xi32, #tpu.memory_space<vmem>>)
    %dma_wait3A_115 = arith.constant 0 : i32
    %dma_wait3A_116 = arith.constant 0 : i32
    %dma_wait3A_117 = tpu.memref_slice %arg3[%dma_wait3A_115, %dma_wait3A_116] : memref<2x320000xi32, #tpu.memory_space<hbm>> -> memref<1x320000xi32, #tpu.memory_space<hbm>>
    %dma_wait3A_118 = tpu.memref_squeeze %dma_wait3A_117 : memref<1x320000xi32, #tpu.memory_space<hbm>> -> memref<320000xi32, #tpu.memory_space<hbm>>
    %dma_wait3A_119 = arith.constant 0 : i32
    %dma_wait3A_120 = tpu.memref_slice %dma_wait3A_118[%dma_wait3A_119] : memref<320000xi32, #tpu.memory_space<hbm>> -> memref<128xi32, #tpu.memory_space<hbm>>
    %dma_wait3A_121 = arith.constant 0 : i32
    %dma_wait3A_122 = tpu.memref_slice %arg3[%dma_wait3A_115, %dma_wait3A_121] : memref<2x320000xi32, #tpu.memory_space<hbm>> -> memref<1x320000xi32, #tpu.memory_space<hbm>>
    %dma_wait3A_123 = tpu.memref_squeeze %dma_wait3A_122 : memref<1x320000xi32, #tpu.memory_space<hbm>> -> memref<320000xi32, #tpu.memory_space<hbm>>
    %dma_wait3A_124 = arith.constant 0 : i32
    %dma_wait3A_125 = tpu.memref_slice %dma_wait3A_123[%dma_wait3A_124] : memref<320000xi32, #tpu.memory_space<hbm>> -> memref<128xi32, #tpu.memory_space<hbm>>
    tpu.wait_dma2 semaphore(%arg27 : memref<!tpu.dma_semaphore, #tpu.memory_space<semaphore_mem>>) src(%dma_wait3A_125 : memref<128xi32, #tpu.memory_space<hbm>>) dst(%arg12 : memref<128xi32, #tpu.memory_space<vmem>>)
    %dma_start3A_126 = arith.constant 0 : i32
    %dma_start3A_127 = arith.constant 0 : i32
    %dma_start3A_128 = tpu.memref_slice %arg2[%dma_start3A_126, %dma_start3A_127] : memref<10000x128xf32, #tpu.memory_space<hbm>> -> memref<10000x128xf32, #tpu.memory_space<hbm>>
    tpu.enqueue_indirect_dma source(%dma_start3A_128 : memref<10000x128xf32, #tpu.memory_space<hbm>>) target(%arg16 : memref<128x128xf32, #tpu.memory_space<vmem>>) offsets(%arg8 : memref<128xi32, #tpu.memory_space<vmem>>) semaphore(%arg23 : memref<!tpu.dma_semaphore, #tpu.memory_space<semaphore_mem>>)
    %dma_start3A_129 = arith.constant 0 : i32
    %dma_start3A_130 = arith.constant 0 : i32
    %dma_start3A_131 = tpu.memref_slice %arg21[%dma_start3A_129, %dma_start3A_130] : memref<10240x128xf32, #tpu.memory_space<vmem_shared>> -> memref<10240x128xf32, #tpu.memory_space<vmem_shared>>
    tpu.enqueue_indirect_dma source(%arg15 : memref<128x128xf32, #tpu.memory_space<vmem>>) target(%dma_start3A_131 : memref<10240x128xf32, #tpu.memory_space<vmem_shared>>) offsets(%arg11 : memref<128xi32, #tpu.memory_space<vmem>>) semaphore(%arg24 : memref<!tpu.dma_semaphore, #tpu.memory_space<semaphore_mem>>) {add = true}
    %get3A = arith.constant 0 : index
    %get3A_132 = tpu.vector_load %arg11[%get3A] {strides = array<i32>} : memref<128xi32, #tpu.memory_space<vmem>>, vector<16xi32>,
    tpu.vector_store_idx %arg17[%get3A_132], %broadcast_in_dim3A_3 {add = true} : memref<10240xf32, #tpu.memory_space<vmem>>[vector<16xi32>], vector<16xf32>,
    %get3A_133 = arith.constant 16 : index
    %get3A_134 = tpu.vector_load %arg11[%get3A_133] {strides = array<i32>} : memref<128xi32, #tpu.memory_space<vmem>>, vector<16xi32>,
    tpu.vector_store_idx %arg17[%get3A_134], %broadcast_in_dim3A_3 {add = true} : memref<10240xf32, #tpu.memory_space<vmem>>[vector<16xi32>], vector<16xf32>,
    %get3A_135 = arith.constant 32 : index
    %get3A_136 = tpu.vector_load %arg11[%get3A_135] {strides = array<i32>} : memref<128xi32, #tpu.memory_space<vmem>>, vector<16xi32>,
    tpu.vector_store_idx %arg17[%get3A_136], %broadcast_in_dim3A_3 {add = true} : memref<10240xf32, #tpu.memory_space<vmem>>[vector<16xi32>], vector<16xf32>,
    %get3A_137 = arith.constant 48 : index
    %get3A_138 = tpu.vector_load %arg11[%get3A_137] {strides = array<i32>} : memref<128xi32, #tpu.memory_space<vmem>>, vector<16xi32>,
    tpu.vector_store_idx %arg17[%get3A_138], %broadcast_in_dim3A_3 {add = true} : memref<10240xf32, #tpu.memory_space<vmem>>[vector<16xi32>], vector<16xf32>,
    %get3A_139 = arith.constant 64 : index
    %get3A_140 = tpu.vector_load %arg11[%get3A_139] {strides = array<i32>} : memref<128xi32, #tpu.memory_space<vmem>>, vector<16xi32>,
    tpu.vector_store_idx %arg17[%get3A_140], %broadcast_in_dim3A_3 {add = true} : memref<10240xf32, #tpu.memory_space<vmem>>[vector<16xi32>], vector<16xf32>,
    %get3A_141 = arith.constant 80 : index
    %get3A_142 = tpu.vector_load %arg11[%get3A_141] {strides = array<i32>} : memref<128xi32, #tpu.memory_space<vmem>>, vector<16xi32>,
    tpu.vector_store_idx %arg17[%get3A_142], %broadcast_in_dim3A_3 {add = true} : memref<10240xf32, #tpu.memory_space<vmem>>[vector<16xi32>], vector<16xf32>,
    %get3A_143 = arith.constant 96 : index
    %get3A_144 = tpu.vector_load %arg11[%get3A_143] {strides = array<i32>} : memref<128xi32, #tpu.memory_space<vmem>>, vector<16xi32>,
    tpu.vector_store_idx %arg17[%get3A_144], %broadcast_in_dim3A_3 {add = true} : memref<10240xf32, #tpu.memory_space<vmem>>[vector<16xi32>], vector<16xf32>,
    %get3A_145 = arith.constant 112 : index
    %get3A_146 = tpu.vector_load %arg11[%get3A_145] {strides = array<i32>} : memref<128xi32, #tpu.memory_space<vmem>>, vector<16xi32>,
    tpu.vector_store_idx %arg17[%get3A_146], %broadcast_in_dim3A_3 {add = true} : memref<10240xf32, #tpu.memory_space<vmem>>[vector<16xi32>], vector<16xf32>,
    %dma_wait3A_147 = arith.constant 0 : i32
    %dma_wait3A_148 = arith.constant 0 : i32
    %dma_wait3A_149 = tpu.memref_slice %arg21[%dma_wait3A_147, %dma_wait3A_148] : memref<10240x128xf32, #tpu.memory_space<vmem_shared>> -> memref<10240x128xf32, #tpu.memory_space<vmem_shared>>
    tpu.wait_indirect_dma semaphore(%arg24 : memref<!tpu.dma_semaphore, #tpu.memory_space<semaphore_mem>>) src(%arg15 : memref<128x128xf32, #tpu.memory_space<vmem>>) dst(%dma_wait3A_149 : memref<10240x128xf32, #tpu.memory_space<vmem_shared>>)
    %add3A_150 = arith.constant 128 : i32
    %add3A_151 = arith.addi %mul3A_5, %add3A_150 : i32
    %add3A_152 = arith.constant 256 : i32
    %add3A_153 = arith.addi %add3A_151, %add3A_152 : i32
    %dma_start3A_154 = arith.constant 1 : i32
    %dma_start3A_155 = arith.constant 0 : i32
    %dma_start3A_156 = tpu.memref_slice %arg3[%dma_start3A_154, %dma_start3A_155] : memref<2x320000xi32, #tpu.memory_space<hbm>> -> memref<1x320000xi32, #tpu.memory_space<hbm>>
    %dma_start3A_157 = tpu.memref_squeeze %dma_start3A_156 : memref<1x320000xi32, #tpu.memory_space<hbm>> -> memref<320000xi32, #tpu.memory_space<hbm>>
    %dma_start3A_158 = tpu.memref_slice %dma_start3A_157[%add3A_153] : memref<320000xi32, #tpu.memory_space<hbm>> -> memref<128xi32, #tpu.memory_space<hbm>>
    %dma_start3A_159 = arith.constant 0 : i32
    %dma_start3A_160 = tpu.memref_slice %arg3[%dma_start3A_154, %dma_start3A_159] : memref<2x320000xi32, #tpu.memory_space<hbm>> -> memref<1x320000xi32, #tpu.memory_space<hbm>>
    %dma_start3A_161 = tpu.memref_squeeze %dma_start3A_160 : memref<1x320000xi32, #tpu.memory_space<hbm>> -> memref<320000xi32, #tpu.memory_space<hbm>>
    %dma_start3A_162 = tpu.memref_slice %dma_start3A_161[%add3A_153] : memref<320000xi32, #tpu.memory_space<hbm>> -> memref<128xi32, #tpu.memory_space<hbm>>
    tpu.enqueue_dma source(%dma_start3A_162 : memref<128xi32, #tpu.memory_space<hbm>>) target(%arg10 : memref<128xi32, #tpu.memory_space<vmem>>) target_semaphore(%arg29 : memref<!tpu.dma_semaphore, #tpu.memory_space<semaphore_mem>>)
    %dma_start3A_163 = arith.constant 0 : i32
    %dma_start3A_164 = arith.constant 0 : i32
    %dma_start3A_165 = tpu.memref_slice %arg3[%dma_start3A_163, %dma_start3A_164] : memref<2x320000xi32, #tpu.memory_space<hbm>> -> memref<1x320000xi32, #tpu.memory_space<hbm>>
    %dma_start3A_166 = tpu.memref_squeeze %dma_start3A_165 : memref<1x320000xi32, #tpu.memory_space<hbm>> -> memref<320000xi32, #tpu.memory_space<hbm>>
    %dma_start3A_167 = tpu.memref_slice %dma_start3A_166[%add3A_153] : memref<320000xi32, #tpu.memory_space<hbm>> -> memref<128xi32, #tpu.memory_space<hbm>>
    %dma_start3A_168 = arith.constant 0 : i32
    %dma_start3A_169 = tpu.memref_slice %arg3[%dma_start3A_163, %dma_start3A_168] : memref<2x320000xi32, #tpu.memory_space<hbm>> -> memref<1x320000xi32, #tpu.memory_space<hbm>>
    %dma_start3A_170 = tpu.memref_squeeze %dma_start3A_169 : memref<1x320000xi32, #tpu.memory_space<hbm>> -> memref<320000xi32, #tpu.memory_space<hbm>>
    %dma_start3A_171 = tpu.memref_slice %dma_start3A_170[%add3A_153] : memref<320000xi32, #tpu.memory_space<hbm>> -> memref<128xi32, #tpu.memory_space<hbm>>
    tpu.enqueue_dma source(%dma_start3A_171 : memref<128xi32, #tpu.memory_space<hbm>>) target(%arg14 : memref<128xi32, #tpu.memory_space<vmem>>) target_semaphore(%arg29 : memref<!tpu.dma_semaphore, #tpu.memory_space<semaphore_mem>>)
    %dma_wait3A_172 = arith.constant 0 : i32
    %dma_wait3A_173 = arith.constant 0 : i32
    %dma_wait3A_174 = tpu.memref_slice %arg2[%dma_wait3A_172, %dma_wait3A_173] : memref<10000x128xf32, #tpu.memory_space<hbm>> -> memref<10000x128xf32, #tpu.memory_space<hbm>>
    tpu.wait_indirect_dma semaphore(%arg23 : memref<!tpu.dma_semaphore, #tpu.memory_space<semaphore_mem>>) src(%dma_wait3A_174 : memref<10000x128xf32, #tpu.memory_space<hbm>>) dst(%arg16 : memref<128x128xf32, #tpu.memory_space<vmem>>)
    %dma_wait3A_175 = arith.constant 1 : i32
    %dma_wait3A_176 = arith.constant 0 : i32
    %dma_wait3A_177 = tpu.memref_slice %arg3[%dma_wait3A_175, %dma_wait3A_176] : memref<2x320000xi32, #tpu.memory_space<hbm>> -> memref<1x320000xi32, #tpu.memory_space<hbm>>
    %dma_wait3A_178 = tpu.memref_squeeze %dma_wait3A_177 : memref<1x320000xi32, #tpu.memory_space<hbm>> -> memref<320000xi32, #tpu.memory_space<hbm>>
    %dma_wait3A_179 = arith.constant 0 : i32
    %dma_wait3A_180 = tpu.memref_slice %dma_wait3A_178[%dma_wait3A_179] : memref<320000xi32, #tpu.memory_space<hbm>> -> memref<128xi32, #tpu.memory_space<hbm>>
    %dma_wait3A_181 = arith.constant 0 : i32
    %dma_wait3A_182 = tpu.memref_slice %arg3[%dma_wait3A_175, %dma_wait3A_181] : memref<2x320000xi32, #tpu.memory_space<hbm>> -> memref<1x320000xi32, #tpu.memory_space<hbm>>
    %dma_wait3A_183 = tpu.memref_squeeze %dma_wait3A_182 : memref<1x320000xi32, #tpu.memory_space<hbm>> -> memref<320000xi32, #tpu.memory_space<hbm>>
    %dma_wait3A_184 = arith.constant 0 : i32
    %dma_wait3A_185 = tpu.memref_slice %dma_wait3A_183[%dma_wait3A_184] : memref<320000xi32, #tpu.memory_space<hbm>> -> memref<128xi32, #tpu.memory_space<hbm>>
    tpu.wait_dma2 semaphore(%arg28 : memref<!tpu.dma_semaphore, #tpu.memory_space<semaphore_mem>>) src(%dma_wait3A_185 : memref<128xi32, #tpu.memory_space<hbm>>) dst(%arg9 : memref<128xi32, #tpu.memory_space<vmem>>)
    %dma_wait3A_186 = arith.constant 0 : i32
    %dma_wait3A_187 = arith.constant 0 : i32
    %dma_wait3A_188 = tpu.memref_slice %arg3[%dma_wait3A_186, %dma_wait3A_187] : memref<2x320000xi32, #tpu.memory_space<hbm>> -> memref<1x320000xi32, #tpu.memory_space<hbm>>
    %dma_wait3A_189 = tpu.memref_squeeze %dma_wait3A_188 : memref<1x320000xi32, #tpu.memory_space<hbm>> -> memref<320000xi32, #tpu.memory_space<hbm>>
    %dma_wait3A_190 = arith.constant 0 : i32
    %dma_wait3A_191 = tpu.memref_slice %dma_wait3A_189[%dma_wait3A_190] : memref<320000xi32, #tpu.memory_space<hbm>> -> memref<128xi32, #tpu.memory_space<hbm>>
    %dma_wait3A_192 = arith.constant 0 : i32
    %dma_wait3A_193 = tpu.memref_slice %arg3[%dma_wait3A_186, %dma_wait3A_192] : memref<2x320000xi32, #tpu.memory_space<hbm>> -> memref<1x320000xi32, #tpu.memory_space<hbm>>
    %dma_wait3A_194 = tpu.memref_squeeze %dma_wait3A_193 : memref<1x320000xi32, #tpu.memory_space<hbm>> -> memref<320000xi32, #tpu.memory_space<hbm>>
    %dma_wait3A_195 = arith.constant 0 : i32
    %dma_wait3A_196 = tpu.memref_slice %dma_wait3A_194[%dma_wait3A_195] : memref<320000xi32, #tpu.memory_space<hbm>> -> memref<128xi32, #tpu.memory_space<hbm>>
    tpu.wait_dma2 semaphore(%arg28 : memref<!tpu.dma_semaphore, #tpu.memory_space<semaphore_mem>>) src(%dma_wait3A_196 : memref<128xi32, #tpu.memory_space<hbm>>) dst(%arg13 : memref<128xi32, #tpu.memory_space<vmem>>)
    %dma_start3A_197 = arith.constant 0 : i32
    %dma_start3A_198 = arith.constant 0 : i32
    %dma_start3A_199 = tpu.memref_slice %arg2[%dma_start3A_197, %dma_start3A_198] : memref<10000x128xf32, #tpu.memory_space<hbm>> -> memref<10000x128xf32, #tpu.memory_space<hbm>>
    tpu.enqueue_indirect_dma source(%dma_start3A_199 : memref<10000x128xf32, #tpu.memory_space<hbm>>) target(%arg15 : memref<128x128xf32, #tpu.memory_space<vmem>>) offsets(%arg9 : memref<128xi32, #tpu.memory_space<vmem>>) semaphore(%arg22 : memref<!tpu.dma_semaphore, #tpu.memory_space<semaphore_mem>>)
    %dma_start3A_200 = arith.constant 0 : i32
    %dma_start3A_201 = arith.constant 0 : i32
    %dma_start3A_202 = tpu.memref_slice %arg21[%dma_start3A_200, %dma_start3A_201] : memref<10240x128xf32, #tpu.memory_space<vmem_shared>> -> memref<10240x128xf32, #tpu.memory_space<vmem_shared>>
    tpu.enqueue_indirect_dma source(%arg16 : memref<128x128xf32, #tpu.memory_space<vmem>>) target(%dma_start3A_202 : memref<10240x128xf32, #tpu.memory_space<vmem_shared>>) offsets(%arg12 : memref<128xi32, #tpu.memory_space<vmem>>) semaphore(%arg25 : memref<!tpu.dma_semaphore, #tpu.memory_space<semaphore_mem>>) {add = true}
    %get3A_203 = arith.constant 0 : index
    %get3A_204 = tpu.vector_load %arg12[%get3A_203] {strides = array<i32>} : memref<128xi32, #tpu.memory_space<vmem>>, vector<16xi32>,
    tpu.vector_store_idx %arg17[%get3A_204], %broadcast_in_dim3A_3 {add = true} : memref<10240xf32, #tpu.memory_space<vmem>>[vector<16xi32>], vector<16xf32>,
    %get3A_205 = arith.constant 16 : index
    %get3A_206 = tpu.vector_load %arg12[%get3A_205] {strides = array<i32>} : memref<128xi32, #tpu.memory_space<vmem>>, vector<16xi32>,
    tpu.vector_store_idx %arg17[%get3A_206], %broadcast_in_dim3A_3 {add = true} : memref<10240xf32, #tpu.memory_space<vmem>>[vector<16xi32>], vector<16xf32>,
    %get3A_207 = arith.constant 32 : index
    %get3A_208 = tpu.vector_load %arg12[%get3A_207] {strides = array<i32>} : memref<128xi32, #tpu.memory_space<vmem>>, vector<16xi32>,
    tpu.vector_store_idx %arg17[%get3A_208], %broadcast_in_dim3A_3 {add = true} : memref<10240xf32, #tpu.memory_space<vmem>>[vector<16xi32>], vector<16xf32>,
    %get3A_209 = arith.constant 48 : index
    %get3A_210 = tpu.vector_load %arg12[%get3A_209] {strides = array<i32>} : memref<128xi32, #tpu.memory_space<vmem>>, vector<16xi32>,
    tpu.vector_store_idx %arg17[%get3A_210], %broadcast_in_dim3A_3 {add = true} : memref<10240xf32, #tpu.memory_space<vmem>>[vector<16xi32>], vector<16xf32>,
    %get3A_211 = arith.constant 64 : index
    %get3A_212 = tpu.vector_load %arg12[%get3A_211] {strides = array<i32>} : memref<128xi32, #tpu.memory_space<vmem>>, vector<16xi32>,
    tpu.vector_store_idx %arg17[%get3A_212], %broadcast_in_dim3A_3 {add = true} : memref<10240xf32, #tpu.memory_space<vmem>>[vector<16xi32>], vector<16xf32>,
    %get3A_213 = arith.constant 80 : index
    %get3A_214 = tpu.vector_load %arg12[%get3A_213] {strides = array<i32>} : memref<128xi32, #tpu.memory_space<vmem>>, vector<16xi32>,
    tpu.vector_store_idx %arg17[%get3A_214], %broadcast_in_dim3A_3 {add = true} : memref<10240xf32, #tpu.memory_space<vmem>>[vector<16xi32>], vector<16xf32>,
    %get3A_215 = arith.constant 96 : index
    %get3A_216 = tpu.vector_load %arg12[%get3A_215] {strides = array<i32>} : memref<128xi32, #tpu.memory_space<vmem>>, vector<16xi32>,
    tpu.vector_store_idx %arg17[%get3A_216], %broadcast_in_dim3A_3 {add = true} : memref<10240xf32, #tpu.memory_space<vmem>>[vector<16xi32>], vector<16xf32>,
    %get3A_217 = arith.constant 112 : index
    %get3A_218 = tpu.vector_load %arg12[%get3A_217] {strides = array<i32>} : memref<128xi32, #tpu.memory_space<vmem>>, vector<16xi32>,
    tpu.vector_store_idx %arg17[%get3A_218], %broadcast_in_dim3A_3 {add = true} : memref<10240xf32, #tpu.memory_space<vmem>>[vector<16xi32>], vector<16xf32>,
    %dma_wait3A_219 = arith.constant 0 : i32
    %dma_wait3A_220 = arith.constant 0 : i32
    %dma_wait3A_221 = tpu.memref_slice %arg21[%dma_wait3A_219, %dma_wait3A_220] : memref<10240x128xf32, #tpu.memory_space<vmem_shared>> -> memref<10240x128xf32, #tpu.memory_space<vmem_shared>>
    tpu.wait_indirect_dma semaphore(%arg25 : memref<!tpu.dma_semaphore, #tpu.memory_space<semaphore_mem>>) src(%arg16 : memref<128x128xf32, #tpu.memory_space<vmem>>) dst(%dma_wait3A_221 : memref<10240x128xf32, #tpu.memory_space<vmem_shared>>)
    %add3A_222 = arith.constant 256 : i32
    %add3A_223 = arith.addi %mul3A_5, %add3A_222 : i32
    %add3A_224 = arith.constant 256 : i32
    %add3A_225 = arith.addi %add3A_223, %add3A_224 : i32
    %dma_start3A_226 = arith.constant 1 : i32
    %dma_start3A_227 = arith.constant 0 : i32
    %dma_start3A_228 = tpu.memref_slice %arg3[%dma_start3A_226, %dma_start3A_227] : memref<2x320000xi32, #tpu.memory_space<hbm>> -> memref<1x320000xi32, #tpu.memory_space<hbm>>
    %dma_start3A_229 = tpu.memref_squeeze %dma_start3A_228 : memref<1x320000xi32, #tpu.memory_space<hbm>> -> memref<320000xi32, #tpu.memory_space<hbm>>
    %dma_start3A_230 = tpu.memref_slice %dma_start3A_229[%add3A_225] : memref<320000xi32, #tpu.memory_space<hbm>> -> memref<128xi32, #tpu.memory_space<hbm>>
    %dma_start3A_231 = arith.constant 0 : i32
    %dma_start3A_232 = tpu.memref_slice %arg3[%dma_start3A_226, %dma_start3A_231] : memref<2x320000xi32, #tpu.memory_space<hbm>> -> memref<1x320000xi32, #tpu.memory_space<hbm>>
    %dma_start3A_233 = tpu.memref_squeeze %dma_start3A_232 : memref<1x320000xi32, #tpu.memory_space<hbm>> -> memref<320000xi32, #tpu.memory_space<hbm>>
    %dma_start3A_234 = tpu.memref_slice %dma_start3A_233[%add3A_225] : memref<320000xi32, #tpu.memory_space<hbm>> -> memref<128xi32, #tpu.memory_space<hbm>>
    tpu.enqueue_dma source(%dma_start3A_234 : memref<128xi32, #tpu.memory_space<hbm>>) target(%arg7 : memref<128xi32, #tpu.memory_space<vmem>>) target_semaphore(%arg26 : memref<!tpu.dma_semaphore, #tpu.memory_space<semaphore_mem>>)
    %dma_start3A_235 = arith.constant 0 : i32
    %dma_start3A_236 = arith.constant 0 : i32
    %dma_start3A_237 = tpu.memref_slice %arg3[%dma_start3A_235, %dma_start3A_236] : memref<2x320000xi32, #tpu.memory_space<hbm>> -> memref<1x320000xi32, #tpu.memory_space<hbm>>
    %dma_start3A_238 = tpu.memref_squeeze %dma_start3A_237 : memref<1x320000xi32, #tpu.memory_space<hbm>> -> memref<320000xi32, #tpu.memory_space<hbm>>
    %dma_start3A_239 = tpu.memref_slice %dma_start3A_238[%add3A_225] : memref<320000xi32, #tpu.memory_space<hbm>> -> memref<128xi32, #tpu.memory_space<hbm>>
    %dma_start3A_240 = arith.constant 0 : i32
    %dma_start3A_241 = tpu.memref_slice %arg3[%dma_start3A_235, %dma_start3A_240] : memref<2x320000xi32, #tpu.memory_space<hbm>> -> memref<1x320000xi32, #tpu.memory_space<hbm>>
    %dma_start3A_242 = tpu.memref_squeeze %dma_start3A_241 : memref<1x320000xi32, #tpu.memory_space<hbm>> -> memref<320000xi32, #tpu.memory_space<hbm>>
    %dma_start3A_243 = tpu.memref_slice %dma_start3A_242[%add3A_225] : memref<320000xi32, #tpu.memory_space<hbm>> -> memref<128xi32, #tpu.memory_space<hbm>>
    tpu.enqueue_dma source(%dma_start3A_243 : memref<128xi32, #tpu.memory_space<hbm>>) target(%arg11 : memref<128xi32, #tpu.memory_space<vmem>>) target_semaphore(%arg26 : memref<!tpu.dma_semaphore, #tpu.memory_space<semaphore_mem>>)
    %dma_wait3A_244 = arith.constant 0 : i32
    %dma_wait3A_245 = arith.constant 0 : i32
    %dma_wait3A_246 = tpu.memref_slice %arg2[%dma_wait3A_244, %dma_wait3A_245] : memref<10000x128xf32, #tpu.memory_space<hbm>> -> memref<10000x128xf32, #tpu.memory_space<hbm>>
    tpu.wait_indirect_dma semaphore(%arg22 : memref<!tpu.dma_semaphore, #tpu.memory_space<semaphore_mem>>) src(%dma_wait3A_246 : memref<10000x128xf32, #tpu.memory_space<hbm>>) dst(%arg15 : memref<128x128xf32, #tpu.memory_space<vmem>>)
    %dma_wait3A_247 = arith.constant 1 : i32
    %dma_wait3A_248 = arith.constant 0 : i32
    %dma_wait3A_249 = tpu.memref_slice %arg3[%dma_wait3A_247, %dma_wait3A_248] : memref<2x320000xi32, #tpu.memory_space<hbm>> -> memref<1x320000xi32, #tpu.memory_space<hbm>>
    %dma_wait3A_250 = tpu.memref_squeeze %dma_wait3A_249 : memref<1x320000xi32, #tpu.memory_space<hbm>> -> memref<320000xi32, #tpu.memory_space<hbm>>
    %dma_wait3A_251 = arith.constant 0 : i32
    %dma_wait3A_252 = tpu.memref_slice %dma_wait3A_250[%dma_wait3A_251] : memref<320000xi32, #tpu.memory_space<hbm>> -> memref<128xi32, #tpu.memory_space<hbm>>
    %dma_wait3A_253 = arith.constant 0 : i32
    %dma_wait3A_254 = tpu.memref_slice %arg3[%dma_wait3A_247, %dma_wait3A_253] : memref<2x320000xi32, #tpu.memory_space<hbm>> -> memref<1x320000xi32, #tpu.memory_space<hbm>>
    %dma_wait3A_255 = tpu.memref_squeeze %dma_wait3A_254 : memref<1x320000xi32, #tpu.memory_space<hbm>> -> memref<320000xi32, #tpu.memory_space<hbm>>
    %dma_wait3A_256 = arith.constant 0 : i32
    %dma_wait3A_257 = tpu.memref_slice %dma_wait3A_255[%dma_wait3A_256] : memref<320000xi32, #tpu.memory_space<hbm>> -> memref<128xi32, #tpu.memory_space<hbm>>
    tpu.wait_dma2 semaphore(%arg29 : memref<!tpu.dma_semaphore, #tpu.memory_space<semaphore_mem>>) src(%dma_wait3A_257 : memref<128xi32, #tpu.memory_space<hbm>>) dst(%arg10 : memref<128xi32, #tpu.memory_space<vmem>>)
    %dma_wait3A_258 = arith.constant 0 : i32
    %dma_wait3A_259 = arith.constant 0 : i32
    %dma_wait3A_260 = tpu.memref_slice %arg3[%dma_wait3A_258, %dma_wait3A_259] : memref<2x320000xi32, #tpu.memory_space<hbm>> -> memref<1x320000xi32, #tpu.memory_space<hbm>>
    %dma_wait3A_261 = tpu.memref_squeeze %dma_wait3A_260 : memref<1x320000xi32, #tpu.memory_space<hbm>> -> memref<320000xi32, #tpu.memory_space<hbm>>
    %dma_wait3A_262 = arith.constant 0 : i32
    %dma_wait3A_263 = tpu.memref_slice %dma_wait3A_261[%dma_wait3A_262] : memref<320000xi32, #tpu.memory_space<hbm>> -> memref<128xi32, #tpu.memory_space<hbm>>
    %dma_wait3A_264 = arith.constant 0 : i32
    %dma_wait3A_265 = tpu.memref_slice %arg3[%dma_wait3A_258, %dma_wait3A_264] : memref<2x320000xi32, #tpu.memory_space<hbm>> -> memref<1x320000xi32, #tpu.memory_space<hbm>>
    %dma_wait3A_266 = tpu.memref_squeeze %dma_wait3A_265 : memref<1x320000xi32, #tpu.memory_space<hbm>> -> memref<320000xi32, #tpu.memory_space<hbm>>
    %dma_wait3A_267 = arith.constant 0 : i32
    %dma_wait3A_268 = tpu.memref_slice %dma_wait3A_266[%dma_wait3A_267] : memref<320000xi32, #tpu.memory_space<hbm>> -> memref<128xi32, #tpu.memory_space<hbm>>
    tpu.wait_dma2 semaphore(%arg29 : memref<!tpu.dma_semaphore, #tpu.memory_space<semaphore_mem>>) src(%dma_wait3A_268 : memref<128xi32, #tpu.memory_space<hbm>>) dst(%arg14 : memref<128xi32, #tpu.memory_space<vmem>>)
    %dma_start3A_269 = arith.constant 0 : i32
    %dma_start3A_270 = arith.constant 0 : i32
    %dma_start3A_271 = tpu.memref_slice %arg2[%dma_start3A_269, %dma_start3A_270] : memref<10000x128xf32, #tpu.memory_space<hbm>> -> memref<10000x128xf32, #tpu.memory_space<hbm>>
    tpu.enqueue_indirect_dma source(%dma_start3A_271 : memref<10000x128xf32, #tpu.memory_space<hbm>>) target(%arg16 : memref<128x128xf32, #tpu.memory_space<vmem>>) offsets(%arg10 : memref<128xi32, #tpu.memory_space<vmem>>) semaphore(%arg23 : memref<!tpu.dma_semaphore, #tpu.memory_space<semaphore_mem>>)
    %dma_start3A_272 = arith.constant 0 : i32
    %dma_start3A_273 = arith.constant 0 : i32
    %dma_start3A_274 = tpu.memref_slice %arg21[%dma_start3A_272, %dma_start3A_273] : memref<10240x128xf32, #tpu.memory_space<vmem_shared>> -> memref<10240x128xf32, #tpu.memory_space<vmem_shared>>
    tpu.enqueue_indirect_dma source(%arg15 : memref<128x128xf32, #tpu.memory_space<vmem>>) target(%dma_start3A_274 : memref<10240x128xf32, #tpu.memory_space<vmem_shared>>) offsets(%arg13 : memref<128xi32, #tpu.memory_space<vmem>>) semaphore(%arg24 : memref<!tpu.dma_semaphore, #tpu.memory_space<semaphore_mem>>) {add = true}
    %get3A_275 = arith.constant 0 : index
    %get3A_276 = tpu.vector_load %arg13[%get3A_275] {strides = array<i32>} : memref<128xi32, #tpu.memory_space<vmem>>, vector<16xi32>,
    tpu.vector_store_idx %arg17[%get3A_276], %broadcast_in_dim3A_3 {add = true} : memref<10240xf32, #tpu.memory_space<vmem>>[vector<16xi32>], vector<16xf32>,
    %get3A_277 = arith.constant 16 : index
    %get3A_278 = tpu.vector_load %arg13[%get3A_277] {strides = array<i32>} : memref<128xi32, #tpu.memory_space<vmem>>, vector<16xi32>,
    tpu.vector_store_idx %arg17[%get3A_278], %broadcast_in_dim3A_3 {add = true} : memref<10240xf32, #tpu.memory_space<vmem>>[vector<16xi32>], vector<16xf32>,
    %get3A_279 = arith.constant 32 : index
    %get3A_280 = tpu.vector_load %arg13[%get3A_279] {strides = array<i32>} : memref<128xi32, #tpu.memory_space<vmem>>, vector<16xi32>,
    tpu.vector_store_idx %arg17[%get3A_280], %broadcast_in_dim3A_3 {add = true} : memref<10240xf32, #tpu.memory_space<vmem>>[vector<16xi32>], vector<16xf32>,
    %get3A_281 = arith.constant 48 : index
    %get3A_282 = tpu.vector_load %arg13[%get3A_281] {strides = array<i32>} : memref<128xi32, #tpu.memory_space<vmem>>, vector<16xi32>,
    tpu.vector_store_idx %arg17[%get3A_282], %broadcast_in_dim3A_3 {add = true} : memref<10240xf32, #tpu.memory_space<vmem>>[vector<16xi32>], vector<16xf32>,
    %get3A_283 = arith.constant 64 : index
    %get3A_284 = tpu.vector_load %arg13[%get3A_283] {strides = array<i32>} : memref<128xi32, #tpu.memory_space<vmem>>, vector<16xi32>,
    tpu.vector_store_idx %arg17[%get3A_284], %broadcast_in_dim3A_3 {add = true} : memref<10240xf32, #tpu.memory_space<vmem>>[vector<16xi32>], vector<16xf32>,
    %get3A_285 = arith.constant 80 : index
    %get3A_286 = tpu.vector_load %arg13[%get3A_285] {strides = array<i32>} : memref<128xi32, #tpu.memory_space<vmem>>, vector<16xi32>,
    tpu.vector_store_idx %arg17[%get3A_286], %broadcast_in_dim3A_3 {add = true} : memref<10240xf32, #tpu.memory_space<vmem>>[vector<16xi32>], vector<16xf32>,
    %get3A_287 = arith.constant 96 : index
    %get3A_288 = tpu.vector_load %arg13[%get3A_287] {strides = array<i32>} : memref<128xi32, #tpu.memory_space<vmem>>, vector<16xi32>,
    tpu.vector_store_idx %arg17[%get3A_288], %broadcast_in_dim3A_3 {add = true} : memref<10240xf32, #tpu.memory_space<vmem>>[vector<16xi32>], vector<16xf32>,
    %get3A_289 = arith.constant 112 : index
    %get3A_290 = tpu.vector_load %arg13[%get3A_289] {strides = array<i32>} : memref<128xi32, #tpu.memory_space<vmem>>, vector<16xi32>,
    tpu.vector_store_idx %arg17[%get3A_290], %broadcast_in_dim3A_3 {add = true} : memref<10240xf32, #tpu.memory_space<vmem>>[vector<16xi32>], vector<16xf32>,
    %dma_wait3A_291 = arith.constant 0 : i32
    %dma_wait3A_292 = arith.constant 0 : i32
    %dma_wait3A_293 = tpu.memref_slice %arg21[%dma_wait3A_291, %dma_wait3A_292] : memref<10240x128xf32, #tpu.memory_space<vmem_shared>> -> memref<10240x128xf32, #tpu.memory_space<vmem_shared>>
    tpu.wait_indirect_dma semaphore(%arg24 : memref<!tpu.dma_semaphore, #tpu.memory_space<semaphore_mem>>) src(%arg15 : memref<128x128xf32, #tpu.memory_space<vmem>>) dst(%dma_wait3A_293 : memref<10240x128xf32, #tpu.memory_space<vmem_shared>>)
    %add3A_294 = arith.constant 384 : i32
    %add3A_295 = arith.addi %mul3A_5, %add3A_294 : i32
    %add3A_296 = arith.constant 256 : i32
    %add3A_297 = arith.addi %add3A_295, %add3A_296 : i32
    %dma_start3A_298 = arith.constant 1 : i32
    %dma_start3A_299 = arith.constant 0 : i32
    %dma_start3A_300 = tpu.memref_slice %arg3[%dma_start3A_298, %dma_start3A_299] : memref<2x320000xi32, #tpu.memory_space<hbm>> -> memref<1x320000xi32, #tpu.memory_space<hbm>>
    %dma_start3A_301 = tpu.memref_squeeze %dma_start3A_300 : memref<1x320000xi32, #tpu.memory_space<hbm>> -> memref<320000xi32, #tpu.memory_space<hbm>>
    %dma_start3A_302 = tpu.memref_slice %dma_start3A_301[%add3A_297] : memref<320000xi32, #tpu.memory_space<hbm>> -> memref<128xi32, #tpu.memory_space<hbm>>
    %dma_start3A_303 = arith.constant 0 : i32
    %dma_start3A_304 = tpu.memref_slice %arg3[%dma_start3A_298, %dma_start3A_303] : memref<2x320000xi32, #tpu.memory_space<hbm>> -> memref<1x320000xi32, #tpu.memory_space<hbm>>
    %dma_start3A_305 = tpu.memref_squeeze %dma_start3A_304 : memref<1x320000xi32, #tpu.memory_space<hbm>> -> memref<320000xi32, #tpu.memory_space<hbm>>
    %dma_start3A_306 = tpu.memref_slice %dma_start3A_305[%add3A_297] : memref<320000xi32, #tpu.memory_space<hbm>> -> memref<128xi32, #tpu.memory_space<hbm>>
    tpu.enqueue_dma source(%dma_start3A_306 : memref<128xi32, #tpu.memory_space<hbm>>) target(%arg8 : memref<128xi32, #tpu.memory_space<vmem>>) target_semaphore(%arg27 : memref<!tpu.dma_semaphore, #tpu.memory_space<semaphore_mem>>)
    %dma_start3A_307 = arith.constant 0 : i32
    %dma_start3A_308 = arith.constant 0 : i32
    %dma_start3A_309 = tpu.memref_slice %arg3[%dma_start3A_307, %dma_start3A_308] : memref<2x320000xi32, #tpu.memory_space<hbm>> -> memref<1x320000xi32, #tpu.memory_space<hbm>>
    %dma_start3A_310 = tpu.memref_squeeze %dma_start3A_309 : memref<1x320000xi32, #tpu.memory_space<hbm>> -> memref<320000xi32, #tpu.memory_space<hbm>>
    %dma_start3A_311 = tpu.memref_slice %dma_start3A_310[%add3A_297] : memref<320000xi32, #tpu.memory_space<hbm>> -> memref<128xi32, #tpu.memory_space<hbm>>
    %dma_start3A_312 = arith.constant 0 : i32
    %dma_start3A_313 = tpu.memref_slice %arg3[%dma_start3A_307, %dma_start3A_312] : memref<2x320000xi32, #tpu.memory_space<hbm>> -> memref<1x320000xi32, #tpu.memory_space<hbm>>
    %dma_start3A_314 = tpu.memref_squeeze %dma_start3A_313 : memref<1x320000xi32, #tpu.memory_space<hbm>> -> memref<320000xi32, #tpu.memory_space<hbm>>
    %dma_start3A_315 = tpu.memref_slice %dma_start3A_314[%add3A_297] : memref<320000xi32, #tpu.memory_space<hbm>> -> memref<128xi32, #tpu.memory_space<hbm>>
    tpu.enqueue_dma source(%dma_start3A_315 : memref<128xi32, #tpu.memory_space<hbm>>) target(%arg12 : memref<128xi32, #tpu.memory_space<vmem>>) target_semaphore(%arg27 : memref<!tpu.dma_semaphore, #tpu.memory_space<semaphore_mem>>)
    %dma_wait3A_316 = arith.constant 0 : i32
    %dma_wait3A_317 = arith.constant 0 : i32
    %dma_wait3A_318 = tpu.memref_slice %arg2[%dma_wait3A_316, %dma_wait3A_317] : memref<10000x128xf32, #tpu.memory_space<hbm>> -> memref<10000x128xf32, #tpu.memory_space<hbm>>
    tpu.wait_indirect_dma semaphore(%arg23 : memref<!tpu.dma_semaphore, #tpu.memory_space<semaphore_mem>>) src(%dma_wait3A_318 : memref<10000x128xf32, #tpu.memory_space<hbm>>) dst(%arg16 : memref<128x128xf32, #tpu.memory_space<vmem>>)
    %dma_wait3A_319 = arith.constant 1 : i32
    %dma_wait3A_320 = arith.constant 0 : i32
    %dma_wait3A_321 = tpu.memref_slice %arg3[%dma_wait3A_319, %dma_wait3A_320] : memref<2x320000xi32, #tpu.memory_space<hbm>> -> memref<1x320000xi32, #tpu.memory_space<hbm>>
    %dma_wait3A_322 = tpu.memref_squeeze %dma_wait3A_321 : memref<1x320000xi32, #tpu.memory_space<hbm>> -> memref<320000xi32, #tpu.memory_space<hbm>>
    %dma_wait3A_323 = arith.constant 0 : i32
    %dma_wait3A_324 = tpu.memref_slice %dma_wait3A_322[%dma_wait3A_323] : memref<320000xi32, #tpu.memory_space<hbm>> -> memref<128xi32, #tpu.memory_space<hbm>>
    %dma_wait3A_325 = arith.constant 0 : i32
    %dma_wait3A_326 = tpu.memref_slice %arg3[%dma_wait3A_319, %dma_wait3A_325] : memref<2x320000xi32, #tpu.memory_space<hbm>> -> memref<1x320000xi32, #tpu.memory_space<hbm>>
    %dma_wait3A_327 = tpu.memref_squeeze %dma_wait3A_326 : memref<1x320000xi32, #tpu.memory_space<hbm>> -> memref<320000xi32, #tpu.memory_space<hbm>>
    %dma_wait3A_328 = arith.constant 0 : i32
    %dma_wait3A_329 = tpu.memref_slice %dma_wait3A_327[%dma_wait3A_328] : memref<320000xi32, #tpu.memory_space<hbm>> -> memref<128xi32, #tpu.memory_space<hbm>>
    tpu.wait_dma2 semaphore(%arg26 : memref<!tpu.dma_semaphore, #tpu.memory_space<semaphore_mem>>) src(%dma_wait3A_329 : memref<128xi32, #tpu.memory_space<hbm>>) dst(%arg7 : memref<128xi32, #tpu.memory_space<vmem>>)
    %dma_wait3A_330 = arith.constant 0 : i32
    %dma_wait3A_331 = arith.constant 0 : i32
    %dma_wait3A_332 = tpu.memref_slice %arg3[%dma_wait3A_330, %dma_wait3A_331] : memref<2x320000xi32, #tpu.memory_space<hbm>> -> memref<1x320000xi32, #tpu.memory_space<hbm>>
    %dma_wait3A_333 = tpu.memref_squeeze %dma_wait3A_332 : memref<1x320000xi32, #tpu.memory_space<hbm>> -> memref<320000xi32, #tpu.memory_space<hbm>>
    %dma_wait3A_334 = arith.constant 0 : i32
    %dma_wait3A_335 = tpu.memref_slice %dma_wait3A_333[%dma_wait3A_334] : memref<320000xi32, #tpu.memory_space<hbm>> -> memref<128xi32, #tpu.memory_space<hbm>>
    %dma_wait3A_336 = arith.constant 0 : i32
    %dma_wait3A_337 = tpu.memref_slice %arg3[%dma_wait3A_330, %dma_wait3A_336] : memref<2x320000xi32, #tpu.memory_space<hbm>> -> memref<1x320000xi32, #tpu.memory_space<hbm>>
    %dma_wait3A_338 = tpu.memref_squeeze %dma_wait3A_337 : memref<1x320000xi32, #tpu.memory_space<hbm>> -> memref<320000xi32, #tpu.memory_space<hbm>>
    %dma_wait3A_339 = arith.constant 0 : i32
    %dma_wait3A_340 = tpu.memref_slice %dma_wait3A_338[%dma_wait3A_339] : memref<320000xi32, #tpu.memory_space<hbm>> -> memref<128xi32, #tpu.memory_space<hbm>>
    tpu.wait_dma2 semaphore(%arg26 : memref<!tpu.dma_semaphore, #tpu.memory_space<semaphore_mem>>) src(%dma_wait3A_340 : memref<128xi32, #tpu.memory_space<hbm>>) dst(%arg11 : memref<128xi32, #tpu.memory_space<vmem>>)
    %dma_start3A_341 = arith.constant 0 : i32
    %dma_start3A_342 = arith.constant 0 : i32
    %dma_start3A_343 = tpu.memref_slice %arg2[%dma_start3A_341, %dma_start3A_342] : memref<10000x128xf32, #tpu.memory_space<hbm>> -> memref<10000x128xf32, #tpu.memory_space<hbm>>
    tpu.enqueue_indirect_dma source(%dma_start3A_343 : memref<10000x128xf32, #tpu.memory_space<hbm>>) target(%arg15 : memref<128x128xf32, #tpu.memory_space<vmem>>) offsets(%arg7 : memref<128xi32, #tpu.memory_space<vmem>>) semaphore(%arg22 : memref<!tpu.dma_semaphore, #tpu.memory_space<semaphore_mem>>)
    %dma_start3A_344 = arith.constant 0 : i32
    %dma_start3A_345 = arith.constant 0 : i32
    %dma_start3A_346 = tpu.memref_slice %arg21[%dma_start3A_344, %dma_start3A_345] : memref<10240x128xf32, #tpu.memory_space<vmem_shared>> -> memref<10240x128xf32, #tpu.memory_space<vmem_shared>>
    tpu.enqueue_indirect_dma source(%arg16 : memref<128x128xf32, #tpu.memory_space<vmem>>) target(%dma_start3A_346 : memref<10240x128xf32, #tpu.memory_space<vmem_shared>>) offsets(%arg14 : memref<128xi32, #tpu.memory_space<vmem>>) semaphore(%arg25 : memref<!tpu.dma_semaphore, #tpu.memory_space<semaphore_mem>>) {add = true}
    %get3A_347 = arith.constant 0 : index
    %get3A_348 = tpu.vector_load %arg14[%get3A_347] {strides = array<i32>} : memref<128xi32, #tpu.memory_space<vmem>>, vector<16xi32>,
    tpu.vector_store_idx %arg17[%get3A_348], %broadcast_in_dim3A_3 {add = true} : memref<10240xf32, #tpu.memory_space<vmem>>[vector<16xi32>], vector<16xf32>,
    %get3A_349 = arith.constant 16 : index
    %get3A_350 = tpu.vector_load %arg14[%get3A_349] {strides = array<i32>} : memref<128xi32, #tpu.memory_space<vmem>>, vector<16xi32>,
    tpu.vector_store_idx %arg17[%get3A_350], %broadcast_in_dim3A_3 {add = true} : memref<10240xf32, #tpu.memory_space<vmem>>[vector<16xi32>], vector<16xf32>,
    %get3A_351 = arith.constant 32 : index
    %get3A_352 = tpu.vector_load %arg14[%get3A_351] {strides = array<i32>} : memref<128xi32, #tpu.memory_space<vmem>>, vector<16xi32>,
    tpu.vector_store_idx %arg17[%get3A_352], %broadcast_in_dim3A_3 {add = true} : memref<10240xf32, #tpu.memory_space<vmem>>[vector<16xi32>], vector<16xf32>,
    %get3A_353 = arith.constant 48 : index
    %get3A_354 = tpu.vector_load %arg14[%get3A_353] {strides = array<i32>} : memref<128xi32, #tpu.memory_space<vmem>>, vector<16xi32>,
    tpu.vector_store_idx %arg17[%get3A_354], %broadcast_in_dim3A_3 {add = true} : memref<10240xf32, #tpu.memory_space<vmem>>[vector<16xi32>], vector<16xf32>,
    %get3A_355 = arith.constant 64 : index
    %get3A_356 = tpu.vector_load %arg14[%get3A_355] {strides = array<i32>} : memref<128xi32, #tpu.memory_space<vmem>>, vector<16xi32>,
    tpu.vector_store_idx %arg17[%get3A_356], %broadcast_in_dim3A_3 {add = true} : memref<10240xf32, #tpu.memory_space<vmem>>[vector<16xi32>], vector<16xf32>,
    %get3A_357 = arith.constant 80 : index
    %get3A_358 = tpu.vector_load %arg14[%get3A_357] {strides = array<i32>} : memref<128xi32, #tpu.memory_space<vmem>>, vector<16xi32>,
    tpu.vector_store_idx %arg17[%get3A_358], %broadcast_in_dim3A_3 {add = true} : memref<10240xf32, #tpu.memory_space<vmem>>[vector<16xi32>], vector<16xf32>,
    %get3A_359 = arith.constant 96 : index
    %get3A_360 = tpu.vector_load %arg14[%get3A_359] {strides = array<i32>} : memref<128xi32, #tpu.memory_space<vmem>>, vector<16xi32>,
    tpu.vector_store_idx %arg17[%get3A_360], %broadcast_in_dim3A_3 {add = true} : memref<10240xf32, #tpu.memory_space<vmem>>[vector<16xi32>], vector<16xf32>,
    %get3A_361 = arith.constant 112 : index
    %get3A_362 = tpu.vector_load %arg14[%get3A_361] {strides = array<i32>} : memref<128xi32, #tpu.memory_space<vmem>>, vector<16xi32>,
    tpu.vector_store_idx %arg17[%get3A_362], %broadcast_in_dim3A_3 {add = true} : memref<10240xf32, #tpu.memory_space<vmem>>[vector<16xi32>], vector<16xf32>,
    %dma_wait3A_363 = arith.constant 0 : i32
    %dma_wait3A_364 = arith.constant 0 : i32
    %dma_wait3A_365 = tpu.memref_slice %arg21[%dma_wait3A_363, %dma_wait3A_364] : memref<10240x128xf32, #tpu.memory_space<vmem_shared>> -> memref<10240x128xf32, #tpu.memory_space<vmem_shared>>
    tpu.wait_indirect_dma semaphore(%arg25 : memref<!tpu.dma_semaphore, #tpu.memory_space<semaphore_mem>>) src(%arg16 : memref<128x128xf32, #tpu.memory_space<vmem>>) dst(%dma_wait3A_365 : memref<10240x128xf32, #tpu.memory_space<vmem_shared>>)
    %scan3A_366 = arith.constant 1 : i32
    %scan3A_367 = arith.constant 0 : i32
    %scan3A_368 = arith.constant 0 : i32
    %scan3A_369 = arith.constant 1 : i32
    %scan3A_370 = arith.constant 18 : i32
    %scan3A_371 = arith.addi %scan3A_369, %scan3A_370 : i32
    %scan3A_372 = arith.constant 1 : i32
    %scan3A_373 = scf.for %scan3A_466 = %scan3A_369 to %scan3A_371 step %scan3A_372 iter_args(%scan3A_467 = %scan3A_368) -> (i32)  : i32 {
      %mul3A_468 = arith.constant 4 : i32
      %mul3A_469 = arith.muli %mul3A_468, %scan3A_466 : i32
      %mul3A_470 = arith.constant 128 : i32
      %mul3A_471 = arith.muli %mul3A_469, %mul3A_470 : i32
      %add3A_472 = arith.addi %mul3A_5, %mul3A_471 : i32
      %add3A_473 = arith.constant 0 : i32
      %add3A_474 = arith.addi %add3A_472, %add3A_473 : i32
      %add3A_475 = arith.constant 256 : i32
      %add3A_476 = arith.addi %add3A_474, %add3A_475 : i32
      %dma_start3A_477 = arith.constant 0 : i32
      %dma_start3A_478 = tpu.memref_slice %arg3[%scan3A_366, %dma_start3A_477] : memref<2x320000xi32, #tpu.memory_space<hbm>> -> memref<1x320000xi32, #tpu.memory_space<hbm>>
      %dma_start3A_479 = tpu.memref_squeeze %dma_start3A_478 : memref<1x320000xi32, #tpu.memory_space<hbm>> -> memref<320000xi32, #tpu.memory_space<hbm>>
      %dma_start3A_480 = tpu.memref_slice %dma_start3A_479[%add3A_476] : memref<320000xi32, #tpu.memory_space<hbm>> -> memref<128xi32, #tpu.memory_space<hbm>>
      %dma_start3A_481 = arith.constant 0 : i32
      %dma_start3A_482 = tpu.memref_slice %arg3[%scan3A_366, %dma_start3A_481] : memref<2x320000xi32, #tpu.memory_space<hbm>> -> memref<1x320000xi32, #tpu.memory_space<hbm>>
      %dma_start3A_483 = tpu.memref_squeeze %dma_start3A_482 : memref<1x320000xi32, #tpu.memory_space<hbm>> -> memref<320000xi32, #tpu.memory_space<hbm>>
      %dma_start3A_484 = tpu.memref_slice %dma_start3A_483[%add3A_476] : memref<320000xi32, #tpu.memory_space<hbm>> -> memref<128xi32, #tpu.memory_space<hbm>>
      tpu.enqueue_dma source(%dma_start3A_484 : memref<128xi32, #tpu.memory_space<hbm>>) target(%arg9 : memref<128xi32, #tpu.memory_space<vmem>>) target_semaphore(%arg28 : memref<!tpu.dma_semaphore, #tpu.memory_space<semaphore_mem>>)
      %dma_start3A_485 = arith.constant 0 : i32
      %dma_start3A_486 = tpu.memref_slice %arg3[%scan3A_367, %dma_start3A_485] : memref<2x320000xi32, #tpu.memory_space<hbm>> -> memref<1x320000xi32, #tpu.memory_space<hbm>>
      %dma_start3A_487 = tpu.memref_squeeze %dma_start3A_486 : memref<1x320000xi32, #tpu.memory_space<hbm>> -> memref<320000xi32, #tpu.memory_space<hbm>>
      %dma_start3A_488 = tpu.memref_slice %dma_start3A_487[%add3A_476] : memref<320000xi32, #tpu.memory_space<hbm>> -> memref<128xi32, #tpu.memory_space<hbm>>
      %dma_start3A_489 = arith.constant 0 : i32
      %dma_start3A_490 = tpu.memref_slice %arg3[%scan3A_367, %dma_start3A_489] : memref<2x320000xi32, #tpu.memory_space<hbm>> -> memref<1x320000xi32, #tpu.memory_space<hbm>>
      %dma_start3A_491 = tpu.memref_squeeze %dma_start3A_490 : memref<1x320000xi32, #tpu.memory_space<hbm>> -> memref<320000xi32, #tpu.memory_space<hbm>>
      %dma_start3A_492 = tpu.memref_slice %dma_start3A_491[%add3A_476] : memref<320000xi32, #tpu.memory_space<hbm>> -> memref<128xi32, #tpu.memory_space<hbm>>
      tpu.enqueue_dma source(%dma_start3A_492 : memref<128xi32, #tpu.memory_space<hbm>>) target(%arg13 : memref<128xi32, #tpu.memory_space<vmem>>) target_semaphore(%arg28 : memref<!tpu.dma_semaphore, #tpu.memory_space<semaphore_mem>>)
      %dma_wait3A_493 = arith.constant 0 : i32
      %dma_wait3A_494 = arith.constant 0 : i32
      %dma_wait3A_495 = tpu.memref_slice %arg2[%dma_wait3A_493, %dma_wait3A_494] : memref<10000x128xf32, #tpu.memory_space<hbm>> -> memref<10000x128xf32, #tpu.memory_space<hbm>>
      tpu.wait_indirect_dma semaphore(%arg22 : memref<!tpu.dma_semaphore, #tpu.memory_space<semaphore_mem>>) src(%dma_wait3A_495 : memref<10000x128xf32, #tpu.memory_space<hbm>>) dst(%arg15 : memref<128x128xf32, #tpu.memory_space<vmem>>)
      %dma_wait3A_496 = arith.constant 0 : i32
      %dma_wait3A_497 = tpu.memref_slice %arg3[%scan3A_366, %dma_wait3A_496] : memref<2x320000xi32, #tpu.memory_space<hbm>> -> memref<1x320000xi32, #tpu.memory_space<hbm>>
      %dma_wait3A_498 = tpu.memref_squeeze %dma_wait3A_497 : memref<1x320000xi32, #tpu.memory_space<hbm>> -> memref<320000xi32, #tpu.memory_space<hbm>>
      %dma_wait3A_499 = arith.constant 0 : i32
      %dma_wait3A_500 = tpu.memref_slice %dma_wait3A_498[%dma_wait3A_499] : memref<320000xi32, #tpu.memory_space<hbm>> -> memref<128xi32, #tpu.memory_space<hbm>>
      %dma_wait3A_501 = arith.constant 0 : i32
      %dma_wait3A_502 = tpu.memref_slice %arg3[%scan3A_366, %dma_wait3A_501] : memref<2x320000xi32, #tpu.memory_space<hbm>> -> memref<1x320000xi32, #tpu.memory_space<hbm>>
      %dma_wait3A_503 = tpu.memref_squeeze %dma_wait3A_502 : memref<1x320000xi32, #tpu.memory_space<hbm>> -> memref<320000xi32, #tpu.memory_space<hbm>>
      %dma_wait3A_504 = arith.constant 0 : i32
      %dma_wait3A_505 = tpu.memref_slice %dma_wait3A_503[%dma_wait3A_504] : memref<320000xi32, #tpu.memory_space<hbm>> -> memref<128xi32, #tpu.memory_space<hbm>>
      tpu.wait_dma2 semaphore(%arg27 : memref<!tpu.dma_semaphore, #tpu.memory_space<semaphore_mem>>) src(%dma_wait3A_505 : memref<128xi32, #tpu.memory_space<hbm>>) dst(%arg8 : memref<128xi32, #tpu.memory_space<vmem>>)
      %dma_wait3A_506 = arith.constant 0 : i32
      %dma_wait3A_507 = tpu.memref_slice %arg3[%scan3A_367, %dma_wait3A_506] : memref<2x320000xi32, #tpu.memory_space<hbm>> -> memref<1x320000xi32, #tpu.memory_space<hbm>>
      %dma_wait3A_508 = tpu.memref_squeeze %dma_wait3A_507 : memref<1x320000xi32, #tpu.memory_space<hbm>> -> memref<320000xi32, #tpu.memory_space<hbm>>
      %dma_wait3A_509 = arith.constant 0 : i32
      %dma_wait3A_510 = tpu.memref_slice %dma_wait3A_508[%dma_wait3A_509] : memref<320000xi32, #tpu.memory_space<hbm>> -> memref<128xi32, #tpu.memory_space<hbm>>
      %dma_wait3A_511 = arith.constant 0 : i32
      %dma_wait3A_512 = tpu.memref_slice %arg3[%scan3A_367, %dma_wait3A_511] : memref<2x320000xi32, #tpu.memory_space<hbm>> -> memref<1x320000xi32, #tpu.memory_space<hbm>>
      %dma_wait3A_513 = tpu.memref_squeeze %dma_wait3A_512 : memref<1x320000xi32, #tpu.memory_space<hbm>> -> memref<320000xi32, #tpu.memory_space<hbm>>
      %dma_wait3A_514 = arith.constant 0 : i32
      %dma_wait3A_515 = tpu.memref_slice %dma_wait3A_513[%dma_wait3A_514] : memref<320000xi32, #tpu.memory_space<hbm>> -> memref<128xi32, #tpu.memory_space<hbm>>
      tpu.wait_dma2 semaphore(%arg27 : memref<!tpu.dma_semaphore, #tpu.memory_space<semaphore_mem>>) src(%dma_wait3A_515 : memref<128xi32, #tpu.memory_space<hbm>>) dst(%arg12 : memref<128xi32, #tpu.memory_space<vmem>>)
      %dma_start3A_516 = arith.constant 0 : i32
      %dma_start3A_517 = arith.constant 0 : i32
      %dma_start3A_518 = tpu.memref_slice %arg2[%dma_start3A_516, %dma_start3A_517] : memref<10000x128xf32, #tpu.memory_space<hbm>> -> memref<10000x128xf32, #tpu.memory_space<hbm>>
      tpu.enqueue_indirect_dma source(%dma_start3A_518 : memref<10000x128xf32, #tpu.memory_space<hbm>>) target(%arg16 : memref<128x128xf32, #tpu.memory_space<vmem>>) offsets(%arg8 : memref<128xi32, #tpu.memory_space<vmem>>) semaphore(%arg23 : memref<!tpu.dma_semaphore, #tpu.memory_space<semaphore_mem>>)
      %dma_start3A_519 = arith.constant 0 : i32
      %dma_start3A_520 = arith.constant 0 : i32
      %dma_start3A_521 = tpu.memref_slice %arg21[%dma_start3A_519, %dma_start3A_520] : memref<10240x128xf32, #tpu.memory_space<vmem_shared>> -> memref<10240x128xf32, #tpu.memory_space<vmem_shared>>
      tpu.enqueue_indirect_dma source(%arg15 : memref<128x128xf32, #tpu.memory_space<vmem>>) target(%dma_start3A_521 : memref<10240x128xf32, #tpu.memory_space<vmem_shared>>) offsets(%arg11 : memref<128xi32, #tpu.memory_space<vmem>>) semaphore(%arg24 : memref<!tpu.dma_semaphore, #tpu.memory_space<semaphore_mem>>) {add = true}
      %get3A_522 = arith.constant 0 : index
      %get3A_523 = tpu.vector_load %arg11[%get3A_522] {strides = array<i32>} : memref<128xi32, #tpu.memory_space<vmem>>, vector<16xi32>,
      tpu.vector_store_idx %arg17[%get3A_523], %broadcast_in_dim3A_3 {add = true} : memref<10240xf32, #tpu.memory_space<vmem>>[vector<16xi32>], vector<16xf32>,
      %get3A_524 = arith.constant 16 : index
      %get3A_525 = tpu.vector_load %arg11[%get3A_524] {strides = array<i32>} : memref<128xi32, #tpu.memory_space<vmem>>, vector<16xi32>,
      tpu.vector_store_idx %arg17[%get3A_525], %broadcast_in_dim3A_3 {add = true} : memref<10240xf32, #tpu.memory_space<vmem>>[vector<16xi32>], vector<16xf32>,
      %get3A_526 = arith.constant 32 : index
      %get3A_527 = tpu.vector_load %arg11[%get3A_526] {strides = array<i32>} : memref<128xi32, #tpu.memory_space<vmem>>, vector<16xi32>,
      tpu.vector_store_idx %arg17[%get3A_527], %broadcast_in_dim3A_3 {add = true} : memref<10240xf32, #tpu.memory_space<vmem>>[vector<16xi32>], vector<16xf32>,
      %get3A_528 = arith.constant 48 : index
      %get3A_529 = tpu.vector_load %arg11[%get3A_528] {strides = array<i32>} : memref<128xi32, #tpu.memory_space<vmem>>, vector<16xi32>,
      tpu.vector_store_idx %arg17[%get3A_529], %broadcast_in_dim3A_3 {add = true} : memref<10240xf32, #tpu.memory_space<vmem>>[vector<16xi32>], vector<16xf32>,
      %get3A_530 = arith.constant 64 : index
      %get3A_531 = tpu.vector_load %arg11[%get3A_530] {strides = array<i32>} : memref<128xi32, #tpu.memory_space<vmem>>, vector<16xi32>,
      tpu.vector_store_idx %arg17[%get3A_531], %broadcast_in_dim3A_3 {add = true} : memref<10240xf32, #tpu.memory_space<vmem>>[vector<16xi32>], vector<16xf32>,
      %get3A_532 = arith.constant 80 : index
      %get3A_533 = tpu.vector_load %arg11[%get3A_532] {strides = array<i32>} : memref<128xi32, #tpu.memory_space<vmem>>, vector<16xi32>,
      tpu.vector_store_idx %arg17[%get3A_533], %broadcast_in_dim3A_3 {add = true} : memref<10240xf32, #tpu.memory_space<vmem>>[vector<16xi32>], vector<16xf32>,
      %get3A_534 = arith.constant 96 : index
      %get3A_535 = tpu.vector_load %arg11[%get3A_534] {strides = array<i32>} : memref<128xi32, #tpu.memory_space<vmem>>, vector<16xi32>,
      tpu.vector_store_idx %arg17[%get3A_535], %broadcast_in_dim3A_3 {add = true} : memref<10240xf32, #tpu.memory_space<vmem>>[vector<16xi32>], vector<16xf32>,
      %get3A_536 = arith.constant 112 : index
      %get3A_537 = tpu.vector_load %arg11[%get3A_536] {strides = array<i32>} : memref<128xi32, #tpu.memory_space<vmem>>, vector<16xi32>,
      tpu.vector_store_idx %arg17[%get3A_537], %broadcast_in_dim3A_3 {add = true} : memref<10240xf32, #tpu.memory_space<vmem>>[vector<16xi32>], vector<16xf32>,
      %dma_wait3A_538 = arith.constant 0 : i32
      %dma_wait3A_539 = arith.constant 0 : i32
      %dma_wait3A_540 = tpu.memref_slice %arg21[%dma_wait3A_538, %dma_wait3A_539] : memref<10240x128xf32, #tpu.memory_space<vmem_shared>> -> memref<10240x128xf32, #tpu.memory_space<vmem_shared>>
      tpu.wait_indirect_dma semaphore(%arg24 : memref<!tpu.dma_semaphore, #tpu.memory_space<semaphore_mem>>) src(%arg15 : memref<128x128xf32, #tpu.memory_space<vmem>>) dst(%dma_wait3A_540 : memref<10240x128xf32, #tpu.memory_space<vmem_shared>>)
      %add3A_541 = arith.constant 128 : i32
      %add3A_542 = arith.addi %add3A_472, %add3A_541 : i32
      %add3A_543 = arith.constant 256 : i32
      %add3A_544 = arith.addi %add3A_542, %add3A_543 : i32
      %dma_start3A_545 = arith.constant 0 : i32
      %dma_start3A_546 = tpu.memref_slice %arg3[%scan3A_366, %dma_start3A_545] : memref<2x320000xi32, #tpu.memory_space<hbm>> -> memref<1x320000xi32, #tpu.memory_space<hbm>>
      %dma_start3A_547 = tpu.memref_squeeze %dma_start3A_546 : memref<1x320000xi32, #tpu.memory_space<hbm>> -> memref<320000xi32, #tpu.memory_space<hbm>>
      %dma_start3A_548 = tpu.memref_slice %dma_start3A_547[%add3A_544] : memref<320000xi32, #tpu.memory_space<hbm>> -> memref<128xi32, #tpu.memory_space<hbm>>
      %dma_start3A_549 = arith.constant 0 : i32
      %dma_start3A_550 = tpu.memref_slice %arg3[%scan3A_366, %dma_start3A_549] : memref<2x320000xi32, #tpu.memory_space<hbm>> -> memref<1x320000xi32, #tpu.memory_space<hbm>>
      %dma_start3A_551 = tpu.memref_squeeze %dma_start3A_550 : memref<1x320000xi32, #tpu.memory_space<hbm>> -> memref<320000xi32, #tpu.memory_space<hbm>>
      %dma_start3A_552 = tpu.memref_slice %dma_start3A_551[%add3A_544] : memref<320000xi32, #tpu.memory_space<hbm>> -> memref<128xi32, #tpu.memory_space<hbm>>
      tpu.enqueue_dma source(%dma_start3A_552 : memref<128xi32, #tpu.memory_space<hbm>>) target(%arg10 : memref<128xi32, #tpu.memory_space<vmem>>) target_semaphore(%arg29 : memref<!tpu.dma_semaphore, #tpu.memory_space<semaphore_mem>>)
      %dma_start3A_553 = arith.constant 0 : i32
      %dma_start3A_554 = tpu.memref_slice %arg3[%scan3A_367, %dma_start3A_553] : memref<2x320000xi32, #tpu.memory_space<hbm>> -> memref<1x320000xi32, #tpu.memory_space<hbm>>
      %dma_start3A_555 = tpu.memref_squeeze %dma_start3A_554 : memref<1x320000xi32, #tpu.memory_space<hbm>> -> memref<320000xi32, #tpu.memory_space<hbm>>
      %dma_start3A_556 = tpu.memref_slice %dma_start3A_555[%add3A_544] : memref<320000xi32, #tpu.memory_space<hbm>> -> memref<128xi32, #tpu.memory_space<hbm>>
      %dma_start3A_557 = arith.constant 0 : i32
      %dma_start3A_558 = tpu.memref_slice %arg3[%scan3A_367, %dma_start3A_557] : memref<2x320000xi32, #tpu.memory_space<hbm>> -> memref<1x320000xi32, #tpu.memory_space<hbm>>
      %dma_start3A_559 = tpu.memref_squeeze %dma_start3A_558 : memref<1x320000xi32, #tpu.memory_space<hbm>> -> memref<320000xi32, #tpu.memory_space<hbm>>
      %dma_start3A_560 = tpu.memref_slice %dma_start3A_559[%add3A_544] : memref<320000xi32, #tpu.memory_space<hbm>> -> memref<128xi32, #tpu.memory_space<hbm>>
      tpu.enqueue_dma source(%dma_start3A_560 : memref<128xi32, #tpu.memory_space<hbm>>) target(%arg14 : memref<128xi32, #tpu.memory_space<vmem>>) target_semaphore(%arg29 : memref<!tpu.dma_semaphore, #tpu.memory_space<semaphore_mem>>)
      %dma_wait3A_561 = arith.constant 0 : i32
      %dma_wait3A_562 = arith.constant 0 : i32
      %dma_wait3A_563 = tpu.memref_slice %arg2[%dma_wait3A_561, %dma_wait3A_562] : memref<10000x128xf32, #tpu.memory_space<hbm>> -> memref<10000x128xf32, #tpu.memory_space<hbm>>
      tpu.wait_indirect_dma semaphore(%arg23 : memref<!tpu.dma_semaphore, #tpu.memory_space<semaphore_mem>>) src(%dma_wait3A_563 : memref<10000x128xf32, #tpu.memory_space<hbm>>) dst(%arg16 : memref<128x128xf32, #tpu.memory_space<vmem>>)
      %dma_wait3A_564 = arith.constant 0 : i32
      %dma_wait3A_565 = tpu.memref_slice %arg3[%scan3A_366, %dma_wait3A_564] : memref<2x320000xi32, #tpu.memory_space<hbm>> -> memref<1x320000xi32, #tpu.memory_space<hbm>>
      %dma_wait3A_566 = tpu.memref_squeeze %dma_wait3A_565 : memref<1x320000xi32, #tpu.memory_space<hbm>> -> memref<320000xi32, #tpu.memory_space<hbm>>
      %dma_wait3A_567 = arith.constant 0 : i32
      %dma_wait3A_568 = tpu.memref_slice %dma_wait3A_566[%dma_wait3A_567] : memref<320000xi32, #tpu.memory_space<hbm>> -> memref<128xi32, #tpu.memory_space<hbm>>
      %dma_wait3A_569 = arith.constant 0 : i32
      %dma_wait3A_570 = tpu.memref_slice %arg3[%scan3A_366, %dma_wait3A_569] : memref<2x320000xi32, #tpu.memory_space<hbm>> -> memref<1x320000xi32, #tpu.memory_space<hbm>>
      %dma_wait3A_571 = tpu.memref_squeeze %dma_wait3A_570 : memref<1x320000xi32, #tpu.memory_space<hbm>> -> memref<320000xi32, #tpu.memory_space<hbm>>
      %dma_wait3A_572 = arith.constant 0 : i32
      %dma_wait3A_573 = tpu.memref_slice %dma_wait3A_571[%dma_wait3A_572] : memref<320000xi32, #tpu.memory_space<hbm>> -> memref<128xi32, #tpu.memory_space<hbm>>
      tpu.wait_dma2 semaphore(%arg28 : memref<!tpu.dma_semaphore, #tpu.memory_space<semaphore_mem>>) src(%dma_wait3A_573 : memref<128xi32, #tpu.memory_space<hbm>>) dst(%arg9 : memref<128xi32, #tpu.memory_space<vmem>>)
      %dma_wait3A_574 = arith.constant 0 : i32
      %dma_wait3A_575 = tpu.memref_slice %arg3[%scan3A_367, %dma_wait3A_574] : memref<2x320000xi32, #tpu.memory_space<hbm>> -> memref<1x320000xi32, #tpu.memory_space<hbm>>
      %dma_wait3A_576 = tpu.memref_squeeze %dma_wait3A_575 : memref<1x320000xi32, #tpu.memory_space<hbm>> -> memref<320000xi32, #tpu.memory_space<hbm>>
      %dma_wait3A_577 = arith.constant 0 : i32
      %dma_wait3A_578 = tpu.memref_slice %dma_wait3A_576[%dma_wait3A_577] : memref<320000xi32, #tpu.memory_space<hbm>> -> memref<128xi32, #tpu.memory_space<hbm>>
      %dma_wait3A_579 = arith.constant 0 : i32
      %dma_wait3A_580 = tpu.memref_slice %arg3[%scan3A_367, %dma_wait3A_579] : memref<2x320000xi32, #tpu.memory_space<hbm>> -> memref<1x320000xi32, #tpu.memory_space<hbm>>
      %dma_wait3A_581 = tpu.memref_squeeze %dma_wait3A_580 : memref<1x320000xi32, #tpu.memory_space<hbm>> -> memref<320000xi32, #tpu.memory_space<hbm>>
      %dma_wait3A_582 = arith.constant 0 : i32
      %dma_wait3A_583 = tpu.memref_slice %dma_wait3A_581[%dma_wait3A_582] : memref<320000xi32, #tpu.memory_space<hbm>> -> memref<128xi32, #tpu.memory_space<hbm>>
      tpu.wait_dma2 semaphore(%arg28 : memref<!tpu.dma_semaphore, #tpu.memory_space<semaphore_mem>>) src(%dma_wait3A_583 : memref<128xi32, #tpu.memory_space<hbm>>) dst(%arg13 : memref<128xi32, #tpu.memory_space<vmem>>)
      %dma_start3A_584 = arith.constant 0 : i32
      %dma_start3A_585 = arith.constant 0 : i32
      %dma_start3A_586 = tpu.memref_slice %arg2[%dma_start3A_584, %dma_start3A_585] : memref<10000x128xf32, #tpu.memory_space<hbm>> -> memref<10000x128xf32, #tpu.memory_space<hbm>>
      tpu.enqueue_indirect_dma source(%dma_start3A_586 : memref<10000x128xf32, #tpu.memory_space<hbm>>) target(%arg15 : memref<128x128xf32, #tpu.memory_space<vmem>>) offsets(%arg9 : memref<128xi32, #tpu.memory_space<vmem>>) semaphore(%arg22 : memref<!tpu.dma_semaphore, #tpu.memory_space<semaphore_mem>>)
      %dma_start3A_587 = arith.constant 0 : i32
      %dma_start3A_588 = arith.constant 0 : i32
      %dma_start3A_589 = tpu.memref_slice %arg21[%dma_start3A_587, %dma_start3A_588] : memref<10240x128xf32, #tpu.memory_space<vmem_shared>> -> memref<10240x128xf32, #tpu.memory_space<vmem_shared>>
      tpu.enqueue_indirect_dma source(%arg16 : memref<128x128xf32, #tpu.memory_space<vmem>>) target(%dma_start3A_589 : memref<10240x128xf32, #tpu.memory_space<vmem_shared>>) offsets(%arg12 : memref<128xi32, #tpu.memory_space<vmem>>) semaphore(%arg25 : memref<!tpu.dma_semaphore, #tpu.memory_space<semaphore_mem>>) {add = true}
      %get3A_590 = arith.constant 0 : index
      %get3A_591 = tpu.vector_load %arg12[%get3A_590] {strides = array<i32>} : memref<128xi32, #tpu.memory_space<vmem>>, vector<16xi32>,
      tpu.vector_store_idx %arg17[%get3A_591], %broadcast_in_dim3A_3 {add = true} : memref<10240xf32, #tpu.memory_space<vmem>>[vector<16xi32>], vector<16xf32>,
      %get3A_592 = arith.constant 16 : index
      %get3A_593 = tpu.vector_load %arg12[%get3A_592] {strides = array<i32>} : memref<128xi32, #tpu.memory_space<vmem>>, vector<16xi32>,
      tpu.vector_store_idx %arg17[%get3A_593], %broadcast_in_dim3A_3 {add = true} : memref<10240xf32, #tpu.memory_space<vmem>>[vector<16xi32>], vector<16xf32>,
      %get3A_594 = arith.constant 32 : index
      %get3A_595 = tpu.vector_load %arg12[%get3A_594] {strides = array<i32>} : memref<128xi32, #tpu.memory_space<vmem>>, vector<16xi32>,
      tpu.vector_store_idx %arg17[%get3A_595], %broadcast_in_dim3A_3 {add = true} : memref<10240xf32, #tpu.memory_space<vmem>>[vector<16xi32>], vector<16xf32>,
      %get3A_596 = arith.constant 48 : index
      %get3A_597 = tpu.vector_load %arg12[%get3A_596] {strides = array<i32>} : memref<128xi32, #tpu.memory_space<vmem>>, vector<16xi32>,
      tpu.vector_store_idx %arg17[%get3A_597], %broadcast_in_dim3A_3 {add = true} : memref<10240xf32, #tpu.memory_space<vmem>>[vector<16xi32>], vector<16xf32>,
      %get3A_598 = arith.constant 64 : index
      %get3A_599 = tpu.vector_load %arg12[%get3A_598] {strides = array<i32>} : memref<128xi32, #tpu.memory_space<vmem>>, vector<16xi32>,
      tpu.vector_store_idx %arg17[%get3A_599], %broadcast_in_dim3A_3 {add = true} : memref<10240xf32, #tpu.memory_space<vmem>>[vector<16xi32>], vector<16xf32>,
      %get3A_600 = arith.constant 80 : index
      %get3A_601 = tpu.vector_load %arg12[%get3A_600] {strides = array<i32>} : memref<128xi32, #tpu.memory_space<vmem>>, vector<16xi32>,
      tpu.vector_store_idx %arg17[%get3A_601], %broadcast_in_dim3A_3 {add = true} : memref<10240xf32, #tpu.memory_space<vmem>>[vector<16xi32>], vector<16xf32>,
      %get3A_602 = arith.constant 96 : index
      %get3A_603 = tpu.vector_load %arg12[%get3A_602] {strides = array<i32>} : memref<128xi32, #tpu.memory_space<vmem>>, vector<16xi32>,
      tpu.vector_store_idx %arg17[%get3A_603], %broadcast_in_dim3A_3 {add = true} : memref<10240xf32, #tpu.memory_space<vmem>>[vector<16xi32>], vector<16xf32>,
      %get3A_604 = arith.constant 112 : index
      %get3A_605 = tpu.vector_load %arg12[%get3A_604] {strides = array<i32>} : memref<128xi32, #tpu.memory_space<vmem>>, vector<16xi32>,
      tpu.vector_store_idx %arg17[%get3A_605], %broadcast_in_dim3A_3 {add = true} : memref<10240xf32, #tpu.memory_space<vmem>>[vector<16xi32>], vector<16xf32>,
      %dma_wait3A_606 = arith.constant 0 : i32
      %dma_wait3A_607 = arith.constant 0 : i32
      %dma_wait3A_608 = tpu.memref_slice %arg21[%dma_wait3A_606, %dma_wait3A_607] : memref<10240x128xf32, #tpu.memory_space<vmem_shared>> -> memref<10240x128xf32, #tpu.memory_space<vmem_shared>>
      tpu.wait_indirect_dma semaphore(%arg25 : memref<!tpu.dma_semaphore, #tpu.memory_space<semaphore_mem>>) src(%arg16 : memref<128x128xf32, #tpu.memory_space<vmem>>) dst(%dma_wait3A_608 : memref<10240x128xf32, #tpu.memory_space<vmem_shared>>)
      %add3A_609 = arith.constant 256 : i32
      %add3A_610 = arith.addi %add3A_472, %add3A_609 : i32
      %add3A_611 = arith.constant 256 : i32
      %add3A_612 = arith.addi %add3A_610, %add3A_611 : i32
      %dma_start3A_613 = arith.constant 0 : i32
      %dma_start3A_614 = tpu.memref_slice %arg3[%scan3A_366, %dma_start3A_613] : memref<2x320000xi32, #tpu.memory_space<hbm>> -> memref<1x320000xi32, #tpu.memory_space<hbm>>
      %dma_start3A_615 = tpu.memref_squeeze %dma_start3A_614 : memref<1x320000xi32, #tpu.memory_space<hbm>> -> memref<320000xi32, #tpu.memory_space<hbm>>
      %dma_start3A_616 = tpu.memref_slice %dma_start3A_615[%add3A_612] : memref<320000xi32, #tpu.memory_space<hbm>> -> memref<128xi32, #tpu.memory_space<hbm>>
      %dma_start3A_617 = arith.constant 0 : i32
      %dma_start3A_618 = tpu.memref_slice %arg3[%scan3A_366, %dma_start3A_617] : memref<2x320000xi32, #tpu.memory_space<hbm>> -> memref<1x320000xi32, #tpu.memory_space<hbm>>
      %dma_start3A_619 = tpu.memref_squeeze %dma_start3A_618 : memref<1x320000xi32, #tpu.memory_space<hbm>> -> memref<320000xi32, #tpu.memory_space<hbm>>
      %dma_start3A_620 = tpu.memref_slice %dma_start3A_619[%add3A_612] : memref<320000xi32, #tpu.memory_space<hbm>> -> memref<128xi32, #tpu.memory_space<hbm>>
      tpu.enqueue_dma source(%dma_start3A_620 : memref<128xi32, #tpu.memory_space<hbm>>) target(%arg7 : memref<128xi32, #tpu.memory_space<vmem>>) target_semaphore(%arg26 : memref<!tpu.dma_semaphore, #tpu.memory_space<semaphore_mem>>)
      %dma_start3A_621 = arith.constant 0 : i32
      %dma_start3A_622 = tpu.memref_slice %arg3[%scan3A_367, %dma_start3A_621] : memref<2x320000xi32, #tpu.memory_space<hbm>> -> memref<1x320000xi32, #tpu.memory_space<hbm>>
      %dma_start3A_623 = tpu.memref_squeeze %dma_start3A_622 : memref<1x320000xi32, #tpu.memory_space<hbm>> -> memref<320000xi32, #tpu.memory_space<hbm>>
      %dma_start3A_624 = tpu.memref_slice %dma_start3A_623[%add3A_612] : memref<320000xi32, #tpu.memory_space<hbm>> -> memref<128xi32, #tpu.memory_space<hbm>>
      %dma_start3A_625 = arith.constant 0 : i32
      %dma_start3A_626 = tpu.memref_slice %arg3[%scan3A_367, %dma_start3A_625] : memref<2x320000xi32, #tpu.memory_space<hbm>> -> memref<1x320000xi32, #tpu.memory_space<hbm>>
      %dma_start3A_627 = tpu.memref_squeeze %dma_start3A_626 : memref<1x320000xi32, #tpu.memory_space<hbm>> -> memref<320000xi32, #tpu.memory_space<hbm>>
      %dma_start3A_628 = tpu.memref_slice %dma_start3A_627[%add3A_612] : memref<320000xi32, #tpu.memory_space<hbm>> -> memref<128xi32, #tpu.memory_space<hbm>>
      tpu.enqueue_dma source(%dma_start3A_628 : memref<128xi32, #tpu.memory_space<hbm>>) target(%arg11 : memref<128xi32, #tpu.memory_space<vmem>>) target_semaphore(%arg26 : memref<!tpu.dma_semaphore, #tpu.memory_space<semaphore_mem>>)
      %dma_wait3A_629 = arith.constant 0 : i32
      %dma_wait3A_630 = arith.constant 0 : i32
      %dma_wait3A_631 = tpu.memref_slice %arg2[%dma_wait3A_629, %dma_wait3A_630] : memref<10000x128xf32, #tpu.memory_space<hbm>> -> memref<10000x128xf32, #tpu.memory_space<hbm>>
      tpu.wait_indirect_dma semaphore(%arg22 : memref<!tpu.dma_semaphore, #tpu.memory_space<semaphore_mem>>) src(%dma_wait3A_631 : memref<10000x128xf32, #tpu.memory_space<hbm>>) dst(%arg15 : memref<128x128xf32, #tpu.memory_space<vmem>>)
      %dma_wait3A_632 = arith.constant 0 : i32
      %dma_wait3A_633 = tpu.memref_slice %arg3[%scan3A_366, %dma_wait3A_632] : memref<2x320000xi32, #tpu.memory_space<hbm>> -> memref<1x320000xi32, #tpu.memory_space<hbm>>
      %dma_wait3A_634 = tpu.memref_squeeze %dma_wait3A_633 : memref<1x320000xi32, #tpu.memory_space<hbm>> -> memref<320000xi32, #tpu.memory_space<hbm>>
      %dma_wait3A_635 = arith.constant 0 : i32
      %dma_wait3A_636 = tpu.memref_slice %dma_wait3A_634[%dma_wait3A_635] : memref<320000xi32, #tpu.memory_space<hbm>> -> memref<128xi32, #tpu.memory_space<hbm>>
      %dma_wait3A_637 = arith.constant 0 : i32
      %dma_wait3A_638 = tpu.memref_slice %arg3[%scan3A_366, %dma_wait3A_637] : memref<2x320000xi32, #tpu.memory_space<hbm>> -> memref<1x320000xi32, #tpu.memory_space<hbm>>
      %dma_wait3A_639 = tpu.memref_squeeze %dma_wait3A_638 : memref<1x320000xi32, #tpu.memory_space<hbm>> -> memref<320000xi32, #tpu.memory_space<hbm>>
      %dma_wait3A_640 = arith.constant 0 : i32
      %dma_wait3A_641 = tpu.memref_slice %dma_wait3A_639[%dma_wait3A_640] : memref<320000xi32, #tpu.memory_space<hbm>> -> memref<128xi32, #tpu.memory_space<hbm>>
      tpu.wait_dma2 semaphore(%arg29 : memref<!tpu.dma_semaphore, #tpu.memory_space<semaphore_mem>>) src(%dma_wait3A_641 : memref<128xi32, #tpu.memory_space<hbm>>) dst(%arg10 : memref<128xi32, #tpu.memory_space<vmem>>)
      %dma_wait3A_642 = arith.constant 0 : i32
      %dma_wait3A_643 = tpu.memref_slice %arg3[%scan3A_367, %dma_wait3A_642] : memref<2x320000xi32, #tpu.memory_space<hbm>> -> memref<1x320000xi32, #tpu.memory_space<hbm>>
      %dma_wait3A_644 = tpu.memref_squeeze %dma_wait3A_643 : memref<1x320000xi32, #tpu.memory_space<hbm>> -> memref<320000xi32, #tpu.memory_space<hbm>>
      %dma_wait3A_645 = arith.constant 0 : i32
      %dma_wait3A_646 = tpu.memref_slice %dma_wait3A_644[%dma_wait3A_645] : memref<320000xi32, #tpu.memory_space<hbm>> -> memref<128xi32, #tpu.memory_space<hbm>>
      %dma_wait3A_647 = arith.constant 0 : i32
      %dma_wait3A_648 = tpu.memref_slice %arg3[%scan3A_367, %dma_wait3A_647] : memref<2x320000xi32, #tpu.memory_space<hbm>> -> memref<1x320000xi32, #tpu.memory_space<hbm>>
      %dma_wait3A_649 = tpu.memref_squeeze %dma_wait3A_648 : memref<1x320000xi32, #tpu.memory_space<hbm>> -> memref<320000xi32, #tpu.memory_space<hbm>>
      %dma_wait3A_650 = arith.constant 0 : i32
      %dma_wait3A_651 = tpu.memref_slice %dma_wait3A_649[%dma_wait3A_650] : memref<320000xi32, #tpu.memory_space<hbm>> -> memref<128xi32, #tpu.memory_space<hbm>>
      tpu.wait_dma2 semaphore(%arg29 : memref<!tpu.dma_semaphore, #tpu.memory_space<semaphore_mem>>) src(%dma_wait3A_651 : memref<128xi32, #tpu.memory_space<hbm>>) dst(%arg14 : memref<128xi32, #tpu.memory_space<vmem>>)
      %dma_start3A_652 = arith.constant 0 : i32
      %dma_start3A_653 = arith.constant 0 : i32
      %dma_start3A_654 = tpu.memref_slice %arg2[%dma_start3A_652, %dma_start3A_653] : memref<10000x128xf32, #tpu.memory_space<hbm>> -> memref<10000x128xf32, #tpu.memory_space<hbm>>
      tpu.enqueue_indirect_dma source(%dma_start3A_654 : memref<10000x128xf32, #tpu.memory_space<hbm>>) target(%arg16 : memref<128x128xf32, #tpu.memory_space<vmem>>) offsets(%arg10 : memref<128xi32, #tpu.memory_space<vmem>>) semaphore(%arg23 : memref<!tpu.dma_semaphore, #tpu.memory_space<semaphore_mem>>)
      %dma_start3A_655 = arith.constant 0 : i32
      %dma_start3A_656 = arith.constant 0 : i32
      %dma_start3A_657 = tpu.memref_slice %arg21[%dma_start3A_655, %dma_start3A_656] : memref<10240x128xf32, #tpu.memory_space<vmem_shared>> -> memref<10240x128xf32, #tpu.memory_space<vmem_shared>>
      tpu.enqueue_indirect_dma source(%arg15 : memref<128x128xf32, #tpu.memory_space<vmem>>) target(%dma_start3A_657 : memref<10240x128xf32, #tpu.memory_space<vmem_shared>>) offsets(%arg13 : memref<128xi32, #tpu.memory_space<vmem>>) semaphore(%arg24 : memref<!tpu.dma_semaphore, #tpu.memory_space<semaphore_mem>>) {add = true}
      %get3A_658 = arith.constant 0 : index
      %get3A_659 = tpu.vector_load %arg13[%get3A_658] {strides = array<i32>} : memref<128xi32, #tpu.memory_space<vmem>>, vector<16xi32>,
      tpu.vector_store_idx %arg17[%get3A_659], %broadcast_in_dim3A_3 {add = true} : memref<10240xf32, #tpu.memory_space<vmem>>[vector<16xi32>], vector<16xf32>,
      %get3A_660 = arith.constant 16 : index
      %get3A_661 = tpu.vector_load %arg13[%get3A_660] {strides = array<i32>} : memref<128xi32, #tpu.memory_space<vmem>>, vector<16xi32>,
      tpu.vector_store_idx %arg17[%get3A_661], %broadcast_in_dim3A_3 {add = true} : memref<10240xf32, #tpu.memory_space<vmem>>[vector<16xi32>], vector<16xf32>,
      %get3A_662 = arith.constant 32 : index
      %get3A_663 = tpu.vector_load %arg13[%get3A_662] {strides = array<i32>} : memref<128xi32, #tpu.memory_space<vmem>>, vector<16xi32>,
      tpu.vector_store_idx %arg17[%get3A_663], %broadcast_in_dim3A_3 {add = true} : memref<10240xf32, #tpu.memory_space<vmem>>[vector<16xi32>], vector<16xf32>,
      %get3A_664 = arith.constant 48 : index
      %get3A_665 = tpu.vector_load %arg13[%get3A_664] {strides = array<i32>} : memref<128xi32, #tpu.memory_space<vmem>>, vector<16xi32>,
      tpu.vector_store_idx %arg17[%get3A_665], %broadcast_in_dim3A_3 {add = true} : memref<10240xf32, #tpu.memory_space<vmem>>[vector<16xi32>], vector<16xf32>,
      %get3A_666 = arith.constant 64 : index
      %get3A_667 = tpu.vector_load %arg13[%get3A_666] {strides = array<i32>} : memref<128xi32, #tpu.memory_space<vmem>>, vector<16xi32>,
      tpu.vector_store_idx %arg17[%get3A_667], %broadcast_in_dim3A_3 {add = true} : memref<10240xf32, #tpu.memory_space<vmem>>[vector<16xi32>], vector<16xf32>,
      %get3A_668 = arith.constant 80 : index
      %get3A_669 = tpu.vector_load %arg13[%get3A_668] {strides = array<i32>} : memref<128xi32, #tpu.memory_space<vmem>>, vector<16xi32>,
      tpu.vector_store_idx %arg17[%get3A_669], %broadcast_in_dim3A_3 {add = true} : memref<10240xf32, #tpu.memory_space<vmem>>[vector<16xi32>], vector<16xf32>,
      %get3A_670 = arith.constant 96 : index
      %get3A_671 = tpu.vector_load %arg13[%get3A_670] {strides = array<i32>} : memref<128xi32, #tpu.memory_space<vmem>>, vector<16xi32>,
      tpu.vector_store_idx %arg17[%get3A_671], %broadcast_in_dim3A_3 {add = true} : memref<10240xf32, #tpu.memory_space<vmem>>[vector<16xi32>], vector<16xf32>,
      %get3A_672 = arith.constant 112 : index
      %get3A_673 = tpu.vector_load %arg13[%get3A_672] {strides = array<i32>} : memref<128xi32, #tpu.memory_space<vmem>>, vector<16xi32>,
      tpu.vector_store_idx %arg17[%get3A_673], %broadcast_in_dim3A_3 {add = true} : memref<10240xf32, #tpu.memory_space<vmem>>[vector<16xi32>], vector<16xf32>,
      %dma_wait3A_674 = arith.constant 0 : i32
      %dma_wait3A_675 = arith.constant 0 : i32
      %dma_wait3A_676 = tpu.memref_slice %arg21[%dma_wait3A_674, %dma_wait3A_675] : memref<10240x128xf32, #tpu.memory_space<vmem_shared>> -> memref<10240x128xf32, #tpu.memory_space<vmem_shared>>
      tpu.wait_indirect_dma semaphore(%arg24 : memref<!tpu.dma_semaphore, #tpu.memory_space<semaphore_mem>>) src(%arg15 : memref<128x128xf32, #tpu.memory_space<vmem>>) dst(%dma_wait3A_676 : memref<10240x128xf32, #tpu.memory_space<vmem_shared>>)
      %add3A_677 = arith.constant 384 : i32
      %add3A_678 = arith.addi %add3A_472, %add3A_677 : i32
      %add3A_679 = arith.constant 256 : i32
      %add3A_680 = arith.addi %add3A_678, %add3A_679 : i32
      %dma_start3A_681 = arith.constant 0 : i32
      %dma_start3A_682 = tpu.memref_slice %arg3[%scan3A_366, %dma_start3A_681] : memref<2x320000xi32, #tpu.memory_space<hbm>> -> memref<1x320000xi32, #tpu.memory_space<hbm>>
      %dma_start3A_683 = tpu.memref_squeeze %dma_start3A_682 : memref<1x320000xi32, #tpu.memory_space<hbm>> -> memref<320000xi32, #tpu.memory_space<hbm>>
      %dma_start3A_684 = tpu.memref_slice %dma_start3A_683[%add3A_680] : memref<320000xi32, #tpu.memory_space<hbm>> -> memref<128xi32, #tpu.memory_space<hbm>>
      %dma_start3A_685 = arith.constant 0 : i32
      %dma_start3A_686 = tpu.memref_slice %arg3[%scan3A_366, %dma_start3A_685] : memref<2x320000xi32, #tpu.memory_space<hbm>> -> memref<1x320000xi32, #tpu.memory_space<hbm>>
      %dma_start3A_687 = tpu.memref_squeeze %dma_start3A_686 : memref<1x320000xi32, #tpu.memory_space<hbm>> -> memref<320000xi32, #tpu.memory_space<hbm>>
      %dma_start3A_688 = tpu.memref_slice %dma_start3A_687[%add3A_680] : memref<320000xi32, #tpu.memory_space<hbm>> -> memref<128xi32, #tpu.memory_space<hbm>>
      tpu.enqueue_dma source(%dma_start3A_688 : memref<128xi32, #tpu.memory_space<hbm>>) target(%arg8 : memref<128xi32, #tpu.memory_space<vmem>>) target_semaphore(%arg27 : memref<!tpu.dma_semaphore, #tpu.memory_space<semaphore_mem>>)
      %dma_start3A_689 = arith.constant 0 : i32
      %dma_start3A_690 = tpu.memref_slice %arg3[%scan3A_367, %dma_start3A_689] : memref<2x320000xi32, #tpu.memory_space<hbm>> -> memref<1x320000xi32, #tpu.memory_space<hbm>>
      %dma_start3A_691 = tpu.memref_squeeze %dma_start3A_690 : memref<1x320000xi32, #tpu.memory_space<hbm>> -> memref<320000xi32, #tpu.memory_space<hbm>>
      %dma_start3A_692 = tpu.memref_slice %dma_start3A_691[%add3A_680] : memref<320000xi32, #tpu.memory_space<hbm>> -> memref<128xi32, #tpu.memory_space<hbm>>
      %dma_start3A_693 = arith.constant 0 : i32
      %dma_start3A_694 = tpu.memref_slice %arg3[%scan3A_367, %dma_start3A_693] : memref<2x320000xi32, #tpu.memory_space<hbm>> -> memref<1x320000xi32, #tpu.memory_space<hbm>>
      %dma_start3A_695 = tpu.memref_squeeze %dma_start3A_694 : memref<1x320000xi32, #tpu.memory_space<hbm>> -> memref<320000xi32, #tpu.memory_space<hbm>>
      %dma_start3A_696 = tpu.memref_slice %dma_start3A_695[%add3A_680] : memref<320000xi32, #tpu.memory_space<hbm>> -> memref<128xi32, #tpu.memory_space<hbm>>
      tpu.enqueue_dma source(%dma_start3A_696 : memref<128xi32, #tpu.memory_space<hbm>>) target(%arg12 : memref<128xi32, #tpu.memory_space<vmem>>) target_semaphore(%arg27 : memref<!tpu.dma_semaphore, #tpu.memory_space<semaphore_mem>>)
      %dma_wait3A_697 = arith.constant 0 : i32
      %dma_wait3A_698 = arith.constant 0 : i32
      %dma_wait3A_699 = tpu.memref_slice %arg2[%dma_wait3A_697, %dma_wait3A_698] : memref<10000x128xf32, #tpu.memory_space<hbm>> -> memref<10000x128xf32, #tpu.memory_space<hbm>>
      tpu.wait_indirect_dma semaphore(%arg23 : memref<!tpu.dma_semaphore, #tpu.memory_space<semaphore_mem>>) src(%dma_wait3A_699 : memref<10000x128xf32, #tpu.memory_space<hbm>>) dst(%arg16 : memref<128x128xf32, #tpu.memory_space<vmem>>)
      %dma_wait3A_700 = arith.constant 0 : i32
      %dma_wait3A_701 = tpu.memref_slice %arg3[%scan3A_366, %dma_wait3A_700] : memref<2x320000xi32, #tpu.memory_space<hbm>> -> memref<1x320000xi32, #tpu.memory_space<hbm>>
      %dma_wait3A_702 = tpu.memref_squeeze %dma_wait3A_701 : memref<1x320000xi32, #tpu.memory_space<hbm>> -> memref<320000xi32, #tpu.memory_space<hbm>>
      %dma_wait3A_703 = arith.constant 0 : i32
      %dma_wait3A_704 = tpu.memref_slice %dma_wait3A_702[%dma_wait3A_703] : memref<320000xi32, #tpu.memory_space<hbm>> -> memref<128xi32, #tpu.memory_space<hbm>>
      %dma_wait3A_705 = arith.constant 0 : i32
      %dma_wait3A_706 = tpu.memref_slice %arg3[%scan3A_366, %dma_wait3A_705] : memref<2x320000xi32, #tpu.memory_space<hbm>> -> memref<1x320000xi32, #tpu.memory_space<hbm>>
      %dma_wait3A_707 = tpu.memref_squeeze %dma_wait3A_706 : memref<1x320000xi32, #tpu.memory_space<hbm>> -> memref<320000xi32, #tpu.memory_space<hbm>>
      %dma_wait3A_708 = arith.constant 0 : i32
      %dma_wait3A_709 = tpu.memref_slice %dma_wait3A_707[%dma_wait3A_708] : memref<320000xi32, #tpu.memory_space<hbm>> -> memref<128xi32, #tpu.memory_space<hbm>>
      tpu.wait_dma2 semaphore(%arg26 : memref<!tpu.dma_semaphore, #tpu.memory_space<semaphore_mem>>) src(%dma_wait3A_709 : memref<128xi32, #tpu.memory_space<hbm>>) dst(%arg7 : memref<128xi32, #tpu.memory_space<vmem>>)
      %dma_wait3A_710 = arith.constant 0 : i32
      %dma_wait3A_711 = tpu.memref_slice %arg3[%scan3A_367, %dma_wait3A_710] : memref<2x320000xi32, #tpu.memory_space<hbm>> -> memref<1x320000xi32, #tpu.memory_space<hbm>>
      %dma_wait3A_712 = tpu.memref_squeeze %dma_wait3A_711 : memref<1x320000xi32, #tpu.memory_space<hbm>> -> memref<320000xi32, #tpu.memory_space<hbm>>
      %dma_wait3A_713 = arith.constant 0 : i32
      %dma_wait3A_714 = tpu.memref_slice %dma_wait3A_712[%dma_wait3A_713] : memref<320000xi32, #tpu.memory_space<hbm>> -> memref<128xi32, #tpu.memory_space<hbm>>
      %dma_wait3A_715 = arith.constant 0 : i32
      %dma_wait3A_716 = tpu.memref_slice %arg3[%scan3A_367, %dma_wait3A_715] : memref<2x320000xi32, #tpu.memory_space<hbm>> -> memref<1x320000xi32, #tpu.memory_space<hbm>>
      %dma_wait3A_717 = tpu.memref_squeeze %dma_wait3A_716 : memref<1x320000xi32, #tpu.memory_space<hbm>> -> memref<320000xi32, #tpu.memory_space<hbm>>
      %dma_wait3A_718 = arith.constant 0 : i32
      %dma_wait3A_719 = tpu.memref_slice %dma_wait3A_717[%dma_wait3A_718] : memref<320000xi32, #tpu.memory_space<hbm>> -> memref<128xi32, #tpu.memory_space<hbm>>
      tpu.wait_dma2 semaphore(%arg26 : memref<!tpu.dma_semaphore, #tpu.memory_space<semaphore_mem>>) src(%dma_wait3A_719 : memref<128xi32, #tpu.memory_space<hbm>>) dst(%arg11 : memref<128xi32, #tpu.memory_space<vmem>>)
      %dma_start3A_720 = arith.constant 0 : i32
      %dma_start3A_721 = arith.constant 0 : i32
      %dma_start3A_722 = tpu.memref_slice %arg2[%dma_start3A_720, %dma_start3A_721] : memref<10000x128xf32, #tpu.memory_space<hbm>> -> memref<10000x128xf32, #tpu.memory_space<hbm>>
      tpu.enqueue_indirect_dma source(%dma_start3A_722 : memref<10000x128xf32, #tpu.memory_space<hbm>>) target(%arg15 : memref<128x128xf32, #tpu.memory_space<vmem>>) offsets(%arg7 : memref<128xi32, #tpu.memory_space<vmem>>) semaphore(%arg22 : memref<!tpu.dma_semaphore, #tpu.memory_space<semaphore_mem>>)
      %dma_start3A_723 = arith.constant 0 : i32
      %dma_start3A_724 = arith.constant 0 : i32
      %dma_start3A_725 = tpu.memref_slice %arg21[%dma_start3A_723, %dma_start3A_724] : memref<10240x128xf32, #tpu.memory_space<vmem_shared>> -> memref<10240x128xf32, #tpu.memory_space<vmem_shared>>
      tpu.enqueue_indirect_dma source(%arg16 : memref<128x128xf32, #tpu.memory_space<vmem>>) target(%dma_start3A_725 : memref<10240x128xf32, #tpu.memory_space<vmem_shared>>) offsets(%arg14 : memref<128xi32, #tpu.memory_space<vmem>>) semaphore(%arg25 : memref<!tpu.dma_semaphore, #tpu.memory_space<semaphore_mem>>) {add = true}
      %get3A_726 = arith.constant 0 : index
      %get3A_727 = tpu.vector_load %arg14[%get3A_726] {strides = array<i32>} : memref<128xi32, #tpu.memory_space<vmem>>, vector<16xi32>,
      tpu.vector_store_idx %arg17[%get3A_727], %broadcast_in_dim3A_3 {add = true} : memref<10240xf32, #tpu.memory_space<vmem>>[vector<16xi32>], vector<16xf32>,
      %get3A_728 = arith.constant 16 : index
      %get3A_729 = tpu.vector_load %arg14[%get3A_728] {strides = array<i32>} : memref<128xi32, #tpu.memory_space<vmem>>, vector<16xi32>,
      tpu.vector_store_idx %arg17[%get3A_729], %broadcast_in_dim3A_3 {add = true} : memref<10240xf32, #tpu.memory_space<vmem>>[vector<16xi32>], vector<16xf32>,
      %get3A_730 = arith.constant 32 : index
      %get3A_731 = tpu.vector_load %arg14[%get3A_730] {strides = array<i32>} : memref<128xi32, #tpu.memory_space<vmem>>, vector<16xi32>,
      tpu.vector_store_idx %arg17[%get3A_731], %broadcast_in_dim3A_3 {add = true} : memref<10240xf32, #tpu.memory_space<vmem>>[vector<16xi32>], vector<16xf32>,
      %get3A_732 = arith.constant 48 : index
      %get3A_733 = tpu.vector_load %arg14[%get3A_732] {strides = array<i32>} : memref<128xi32, #tpu.memory_space<vmem>>, vector<16xi32>,
      tpu.vector_store_idx %arg17[%get3A_733], %broadcast_in_dim3A_3 {add = true} : memref<10240xf32, #tpu.memory_space<vmem>>[vector<16xi32>], vector<16xf32>,
      %get3A_734 = arith.constant 64 : index
      %get3A_735 = tpu.vector_load %arg14[%get3A_734] {strides = array<i32>} : memref<128xi32, #tpu.memory_space<vmem>>, vector<16xi32>,
      tpu.vector_store_idx %arg17[%get3A_735], %broadcast_in_dim3A_3 {add = true} : memref<10240xf32, #tpu.memory_space<vmem>>[vector<16xi32>], vector<16xf32>,
      %get3A_736 = arith.constant 80 : index
      %get3A_737 = tpu.vector_load %arg14[%get3A_736] {strides = array<i32>} : memref<128xi32, #tpu.memory_space<vmem>>, vector<16xi32>,
      tpu.vector_store_idx %arg17[%get3A_737], %broadcast_in_dim3A_3 {add = true} : memref<10240xf32, #tpu.memory_space<vmem>>[vector<16xi32>], vector<16xf32>,
      %get3A_738 = arith.constant 96 : index
      %get3A_739 = tpu.vector_load %arg14[%get3A_738] {strides = array<i32>} : memref<128xi32, #tpu.memory_space<vmem>>, vector<16xi32>,
      tpu.vector_store_idx %arg17[%get3A_739], %broadcast_in_dim3A_3 {add = true} : memref<10240xf32, #tpu.memory_space<vmem>>[vector<16xi32>], vector<16xf32>,
      %get3A_740 = arith.constant 112 : index
      %get3A_741 = tpu.vector_load %arg14[%get3A_740] {strides = array<i32>} : memref<128xi32, #tpu.memory_space<vmem>>, vector<16xi32>,
      tpu.vector_store_idx %arg17[%get3A_741], %broadcast_in_dim3A_3 {add = true} : memref<10240xf32, #tpu.memory_space<vmem>>[vector<16xi32>], vector<16xf32>,
      %dma_wait3A_742 = arith.constant 0 : i32
      %dma_wait3A_743 = arith.constant 0 : i32
      %dma_wait3A_744 = tpu.memref_slice %arg21[%dma_wait3A_742, %dma_wait3A_743] : memref<10240x128xf32, #tpu.memory_space<vmem_shared>> -> memref<10240x128xf32, #tpu.memory_space<vmem_shared>>
      tpu.wait_indirect_dma semaphore(%arg25 : memref<!tpu.dma_semaphore, #tpu.memory_space<semaphore_mem>>) src(%arg16 : memref<128x128xf32, #tpu.memory_space<vmem>>) dst(%dma_wait3A_744 : memref<10240x128xf32, #tpu.memory_space<vmem_shared>>)
      %scan3A_745 = arith.constant 0 : i32
      scf.yield %scan3A_745 : i32
    }
    %scan3A_374 = arith.constant 18 : i32
    %add3A_375 = arith.constant 9728 : i32
    %add3A_376 = arith.addi %mul3A_5, %add3A_375 : i32
    %dma_wait3A_377 = arith.constant 0 : i32
    %dma_wait3A_378 = arith.constant 0 : i32
    %dma_wait3A_379 = tpu.memref_slice %arg2[%dma_wait3A_377, %dma_wait3A_378] : memref<10000x128xf32, #tpu.memory_space<hbm>> -> memref<10000x128xf32, #tpu.memory_space<hbm>>
    tpu.wait_indirect_dma semaphore(%arg22 : memref<!tpu.dma_semaphore, #tpu.memory_space<semaphore_mem>>) src(%dma_wait3A_379 : memref<10000x128xf32, #tpu.memory_space<hbm>>) dst(%arg15 : memref<128x128xf32, #tpu.memory_space<vmem>>)
    %dma_wait3A_380 = arith.constant 1 : i32
    %dma_wait3A_381 = arith.constant 0 : i32
    %dma_wait3A_382 = tpu.memref_slice %arg3[%dma_wait3A_380, %dma_wait3A_381] : memref<2x320000xi32, #tpu.memory_space<hbm>> -> memref<1x320000xi32, #tpu.memory_space<hbm>>
    %dma_wait3A_383 = tpu.memref_squeeze %dma_wait3A_382 : memref<1x320000xi32, #tpu.memory_space<hbm>> -> memref<320000xi32, #tpu.memory_space<hbm>>
    %dma_wait3A_384 = arith.constant 0 : i32
    %dma_wait3A_385 = tpu.memref_slice %dma_wait3A_383[%dma_wait3A_384] : memref<320000xi32, #tpu.memory_space<hbm>> -> memref<128xi32, #tpu.memory_space<hbm>>
    %dma_wait3A_386 = arith.constant 0 : i32
    %dma_wait3A_387 = tpu.memref_slice %arg3[%dma_wait3A_380, %dma_wait3A_386] : memref<2x320000xi32, #tpu.memory_space<hbm>> -> memref<1x320000xi32, #tpu.memory_space<hbm>>
    %dma_wait3A_388 = tpu.memref_squeeze %dma_wait3A_387 : memref<1x320000xi32, #tpu.memory_space<hbm>> -> memref<320000xi32, #tpu.memory_space<hbm>>
    %dma_wait3A_389 = arith.constant 0 : i32
    %dma_wait3A_390 = tpu.memref_slice %dma_wait3A_388[%dma_wait3A_389] : memref<320000xi32, #tpu.memory_space<hbm>> -> memref<128xi32, #tpu.memory_space<hbm>>
    tpu.wait_dma2 semaphore(%arg27 : memref<!tpu.dma_semaphore, #tpu.memory_space<semaphore_mem>>) src(%dma_wait3A_390 : memref<128xi32, #tpu.memory_space<hbm>>) dst(%arg8 : memref<128xi32, #tpu.memory_space<vmem>>)
    %dma_wait3A_391 = arith.constant 0 : i32
    %dma_wait3A_392 = arith.constant 0 : i32
    %dma_wait3A_393 = tpu.memref_slice %arg3[%dma_wait3A_391, %dma_wait3A_392] : memref<2x320000xi32, #tpu.memory_space<hbm>> -> memref<1x320000xi32, #tpu.memory_space<hbm>>
    %dma_wait3A_394 = tpu.memref_squeeze %dma_wait3A_393 : memref<1x320000xi32, #tpu.memory_space<hbm>> -> memref<320000xi32, #tpu.memory_space<hbm>>
    %dma_wait3A_395 = arith.constant 0 : i32
    %dma_wait3A_396 = tpu.memref_slice %dma_wait3A_394[%dma_wait3A_395] : memref<320000xi32, #tpu.memory_space<hbm>> -> memref<128xi32, #tpu.memory_space<hbm>>
    %dma_wait3A_397 = arith.constant 0 : i32
    %dma_wait3A_398 = tpu.memref_slice %arg3[%dma_wait3A_391, %dma_wait3A_397] : memref<2x320000xi32, #tpu.memory_space<hbm>> -> memref<1x320000xi32, #tpu.memory_space<hbm>>
    %dma_wait3A_399 = tpu.memref_squeeze %dma_wait3A_398 : memref<1x320000xi32, #tpu.memory_space<hbm>> -> memref<320000xi32, #tpu.memory_space<hbm>>
    %dma_wait3A_400 = arith.constant 0 : i32
    %dma_wait3A_401 = tpu.memref_slice %dma_wait3A_399[%dma_wait3A_400] : memref<320000xi32, #tpu.memory_space<hbm>> -> memref<128xi32, #tpu.memory_space<hbm>>
    tpu.wait_dma2 semaphore(%arg27 : memref<!tpu.dma_semaphore, #tpu.memory_space<semaphore_mem>>) src(%dma_wait3A_401 : memref<128xi32, #tpu.memory_space<hbm>>) dst(%arg12 : memref<128xi32, #tpu.memory_space<vmem>>)
    %dma_start3A_402 = arith.constant 0 : i32
    %dma_start3A_403 = arith.constant 0 : i32
    %dma_start3A_404 = tpu.memref_slice %arg2[%dma_start3A_402, %dma_start3A_403] : memref<10000x128xf32, #tpu.memory_space<hbm>> -> memref<10000x128xf32, #tpu.memory_space<hbm>>
    tpu.enqueue_indirect_dma source(%dma_start3A_404 : memref<10000x128xf32, #tpu.memory_space<hbm>>) target(%arg16 : memref<128x128xf32, #tpu.memory_space<vmem>>) offsets(%arg8 : memref<128xi32, #tpu.memory_space<vmem>>) semaphore(%arg23 : memref<!tpu.dma_semaphore, #tpu.memory_space<semaphore_mem>>)
    %dma_start3A_405 = arith.constant 0 : i32
    %dma_start3A_406 = arith.constant 0 : i32
    %dma_start3A_407 = tpu.memref_slice %arg21[%dma_start3A_405, %dma_start3A_406] : memref<10240x128xf32, #tpu.memory_space<vmem_shared>> -> memref<10240x128xf32, #tpu.memory_space<vmem_shared>>
    tpu.enqueue_indirect_dma source(%arg15 : memref<128x128xf32, #tpu.memory_space<vmem>>) target(%dma_start3A_407 : memref<10240x128xf32, #tpu.memory_space<vmem_shared>>) offsets(%arg11 : memref<128xi32, #tpu.memory_space<vmem>>) semaphore(%arg24 : memref<!tpu.dma_semaphore, #tpu.memory_space<semaphore_mem>>) {add = true}
    %get3A_408 = arith.constant 0 : index
    %get3A_409 = tpu.vector_load %arg11[%get3A_408] {strides = array<i32>} : memref<128xi32, #tpu.memory_space<vmem>>, vector<16xi32>,
    tpu.vector_store_idx %arg17[%get3A_409], %broadcast_in_dim3A_3 {add = true} : memref<10240xf32, #tpu.memory_space<vmem>>[vector<16xi32>], vector<16xf32>,
    %get3A_410 = arith.constant 16 : index
    %get3A_411 = tpu.vector_load %arg11[%get3A_410] {strides = array<i32>} : memref<128xi32, #tpu.memory_space<vmem>>, vector<16xi32>,
    tpu.vector_store_idx %arg17[%get3A_411], %broadcast_in_dim3A_3 {add = true} : memref<10240xf32, #tpu.memory_space<vmem>>[vector<16xi32>], vector<16xf32>,
    %get3A_412 = arith.constant 32 : index
    %get3A_413 = tpu.vector_load %arg11[%get3A_412] {strides = array<i32>} : memref<128xi32, #tpu.memory_space<vmem>>, vector<16xi32>,
    tpu.vector_store_idx %arg17[%get3A_413], %broadcast_in_dim3A_3 {add = true} : memref<10240xf32, #tpu.memory_space<vmem>>[vector<16xi32>], vector<16xf32>,
    %get3A_414 = arith.constant 48 : index
    %get3A_415 = tpu.vector_load %arg11[%get3A_414] {strides = array<i32>} : memref<128xi32, #tpu.memory_space<vmem>>, vector<16xi32>,
    tpu.vector_store_idx %arg17[%get3A_415], %broadcast_in_dim3A_3 {add = true} : memref<10240xf32, #tpu.memory_space<vmem>>[vector<16xi32>], vector<16xf32>,
    %get3A_416 = arith.constant 64 : index
    %get3A_417 = tpu.vector_load %arg11[%get3A_416] {strides = array<i32>} : memref<128xi32, #tpu.memory_space<vmem>>, vector<16xi32>,
    tpu.vector_store_idx %arg17[%get3A_417], %broadcast_in_dim3A_3 {add = true} : memref<10240xf32, #tpu.memory_space<vmem>>[vector<16xi32>], vector<16xf32>,
    %get3A_418 = arith.constant 80 : index
    %get3A_419 = tpu.vector_load %arg11[%get3A_418] {strides = array<i32>} : memref<128xi32, #tpu.memory_space<vmem>>, vector<16xi32>,
    tpu.vector_store_idx %arg17[%get3A_419], %broadcast_in_dim3A_3 {add = true} : memref<10240xf32, #tpu.memory_space<vmem>>[vector<16xi32>], vector<16xf32>,
    %get3A_420 = arith.constant 96 : index
    %get3A_421 = tpu.vector_load %arg11[%get3A_420] {strides = array<i32>} : memref<128xi32, #tpu.memory_space<vmem>>, vector<16xi32>,
    tpu.vector_store_idx %arg17[%get3A_421], %broadcast_in_dim3A_3 {add = true} : memref<10240xf32, #tpu.memory_space<vmem>>[vector<16xi32>], vector<16xf32>,
    %get3A_422 = arith.constant 112 : index
    %get3A_423 = tpu.vector_load %arg11[%get3A_422] {strides = array<i32>} : memref<128xi32, #tpu.memory_space<vmem>>, vector<16xi32>,
    tpu.vector_store_idx %arg17[%get3A_423], %broadcast_in_dim3A_3 {add = true} : memref<10240xf32, #tpu.memory_space<vmem>>[vector<16xi32>], vector<16xf32>,
    %dma_wait3A_424 = arith.constant 0 : i32
    %dma_wait3A_425 = arith.constant 0 : i32
    %dma_wait3A_426 = tpu.memref_slice %arg21[%dma_wait3A_424, %dma_wait3A_425] : memref<10240x128xf32, #tpu.memory_space<vmem_shared>> -> memref<10240x128xf32, #tpu.memory_space<vmem_shared>>
    tpu.wait_indirect_dma semaphore(%arg24 : memref<!tpu.dma_semaphore, #tpu.memory_space<semaphore_mem>>) src(%arg15 : memref<128x128xf32, #tpu.memory_space<vmem>>) dst(%dma_wait3A_426 : memref<10240x128xf32, #tpu.memory_space<vmem_shared>>)
    %add3A_427 = arith.constant 9856 : i32
    %add3A_428 = arith.addi %mul3A_5, %add3A_427 : i32
    %dma_wait3A_429 = arith.constant 0 : i32
    %dma_wait3A_430 = arith.constant 0 : i32
    %dma_wait3A_431 = tpu.memref_slice %arg2[%dma_wait3A_429, %dma_wait3A_430] : memref<10000x128xf32, #tpu.memory_space<hbm>> -> memref<10000x128xf32, #tpu.memory_space<hbm>>
    tpu.wait_indirect_dma semaphore(%arg23 : memref<!tpu.dma_semaphore, #tpu.memory_space<semaphore_mem>>) src(%dma_wait3A_431 : memref<10000x128xf32, #tpu.memory_space<hbm>>) dst(%arg16 : memref<128x128xf32, #tpu.memory_space<vmem>>)
    %dma_start3A_432 = arith.constant 0 : i32
    %dma_start3A_433 = arith.constant 0 : i32
    %dma_start3A_434 = tpu.memref_slice %arg21[%dma_start3A_432, %dma_start3A_433] : memref<10240x128xf32, #tpu.memory_space<vmem_shared>> -> memref<10240x128xf32, #tpu.memory_space<vmem_shared>>
    tpu.enqueue_indirect_dma source(%arg16 : memref<128x128xf32, #tpu.memory_space<vmem>>) target(%dma_start3A_434 : memref<10240x128xf32, #tpu.memory_space<vmem_shared>>) offsets(%arg12 : memref<128xi32, #tpu.memory_space<vmem>>) semaphore(%arg25 : memref<!tpu.dma_semaphore, #tpu.memory_space<semaphore_mem>>) {add = true}
    %get3A_435 = arith.constant 0 : index
    %get3A_436 = tpu.vector_load %arg12[%get3A_435] {strides = array<i32>} : memref<128xi32, #tpu.memory_space<vmem>>, vector<16xi32>,
    tpu.vector_store_idx %arg17[%get3A_436], %broadcast_in_dim3A_3 {add = true} : memref<10240xf32, #tpu.memory_space<vmem>>[vector<16xi32>], vector<16xf32>,
    %get3A_437 = arith.constant 16 : index
    %get3A_438 = tpu.vector_load %arg12[%get3A_437] {strides = array<i32>} : memref<128xi32, #tpu.memory_space<vmem>>, vector<16xi32>,
    tpu.vector_store_idx %arg17[%get3A_438], %broadcast_in_dim3A_3 {add = true} : memref<10240xf32, #tpu.memory_space<vmem>>[vector<16xi32>], vector<16xf32>,
    %get3A_439 = arith.constant 32 : index
    %get3A_440 = tpu.vector_load %arg12[%get3A_439] {strides = array<i32>} : memref<128xi32, #tpu.memory_space<vmem>>, vector<16xi32>,
    tpu.vector_store_idx %arg17[%get3A_440], %broadcast_in_dim3A_3 {add = true} : memref<10240xf32, #tpu.memory_space<vmem>>[vector<16xi32>], vector<16xf32>,
    %get3A_441 = arith.constant 48 : index
    %get3A_442 = tpu.vector_load %arg12[%get3A_441] {strides = array<i32>} : memref<128xi32, #tpu.memory_space<vmem>>, vector<16xi32>,
    tpu.vector_store_idx %arg17[%get3A_442], %broadcast_in_dim3A_3 {add = true} : memref<10240xf32, #tpu.memory_space<vmem>>[vector<16xi32>], vector<16xf32>,
    %get3A_443 = arith.constant 64 : index
    %get3A_444 = tpu.vector_load %arg12[%get3A_443] {strides = array<i32>} : memref<128xi32, #tpu.memory_space<vmem>>, vector<16xi32>,
    tpu.vector_store_idx %arg17[%get3A_444], %broadcast_in_dim3A_3 {add = true} : memref<10240xf32, #tpu.memory_space<vmem>>[vector<16xi32>], vector<16xf32>,
    %get3A_445 = arith.constant 80 : index
    %get3A_446 = tpu.vector_load %arg12[%get3A_445] {strides = array<i32>} : memref<128xi32, #tpu.memory_space<vmem>>, vector<16xi32>,
    tpu.vector_store_idx %arg17[%get3A_446], %broadcast_in_dim3A_3 {add = true} : memref<10240xf32, #tpu.memory_space<vmem>>[vector<16xi32>], vector<16xf32>,
    %get3A_447 = arith.constant 96 : index
    %get3A_448 = tpu.vector_load %arg12[%get3A_447] {strides = array<i32>} : memref<128xi32, #tpu.memory_space<vmem>>, vector<16xi32>,
    tpu.vector_store_idx %arg17[%get3A_448], %broadcast_in_dim3A_3 {add = true} : memref<10240xf32, #tpu.memory_space<vmem>>[vector<16xi32>], vector<16xf32>,
    %get3A_449 = arith.constant 112 : index
    %get3A_450 = tpu.vector_load %arg12[%get3A_449] {strides = array<i32>} : memref<128xi32, #tpu.memory_space<vmem>>, vector<16xi32>,
    tpu.vector_store_idx %arg17[%get3A_450], %broadcast_in_dim3A_3 {add = true} : memref<10240xf32, #tpu.memory_space<vmem>>[vector<16xi32>], vector<16xf32>,
    %dma_wait3A_451 = arith.constant 0 : i32
    %dma_wait3A_452 = arith.constant 0 : i32
    %dma_wait3A_453 = tpu.memref_slice %arg21[%dma_wait3A_451, %dma_wait3A_452] : memref<10240x128xf32, #tpu.memory_space<vmem_shared>> -> memref<10240x128xf32, #tpu.memory_space<vmem_shared>>
    tpu.wait_indirect_dma semaphore(%arg25 : memref<!tpu.dma_semaphore, #tpu.memory_space<semaphore_mem>>) src(%arg16 : memref<128x128xf32, #tpu.memory_space<vmem>>) dst(%dma_wait3A_453 : memref<10240x128xf32, #tpu.memory_space<vmem_shared>>)
    %add3A_454 = arith.constant 9984 : i32
    %add3A_455 = arith.addi %mul3A_5, %add3A_454 : i32
    %run_scoped3A = arith.constant 1 : i32
    "tpu.region"() ({
      %run_scoped3A_466 = tpu.sem_alloc : memref<!tpu.dma_semaphore, #tpu.memory_space<semaphore_mem>>
      %dma_start3A_467 = arith.constant 0 : i32
      %dma_start3A_468 = tpu.memref_slice %arg3[%run_scoped3A, %dma_start3A_467] : memref<2x320000xi32, #tpu.memory_space<hbm>> -> memref<1x320000xi32, #tpu.memory_space<hbm>>
      %dma_start3A_469 = tpu.memref_squeeze %dma_start3A_468 : memref<1x320000xi32, #tpu.memory_space<hbm>> -> memref<320000xi32, #tpu.memory_space<hbm>>
      %dma_start3A_470 = tpu.memref_slice %dma_start3A_469[%add3A_455] : memref<320000xi32, #tpu.memory_space<hbm>> -> memref<16xi32, #tpu.memory_space<hbm>>
      %dma_start3A_471 = arith.constant 0 : i32
      %dma_start3A_472 = tpu.memref_slice %arg3[%run_scoped3A, %dma_start3A_471] : memref<2x320000xi32, #tpu.memory_space<hbm>> -> memref<1x320000xi32, #tpu.memory_space<hbm>>
      %dma_start3A_473 = tpu.memref_squeeze %dma_start3A_472 : memref<1x320000xi32, #tpu.memory_space<hbm>> -> memref<320000xi32, #tpu.memory_space<hbm>>
      %dma_start3A_474 = tpu.memref_slice %dma_start3A_473[%add3A_455] : memref<320000xi32, #tpu.memory_space<hbm>> -> memref<16xi32, #tpu.memory_space<hbm>>
      tpu.enqueue_dma source(%dma_start3A_474 : memref<16xi32, #tpu.memory_space<hbm>>) target(%arg18 : memref<16xi32, #tpu.memory_space<vmem>>) target_semaphore(%run_scoped3A_466 : memref<!tpu.dma_semaphore, #tpu.memory_space<semaphore_mem>>)
      %dma_wait3A_475 = arith.constant 0 : i32
      %dma_wait3A_476 = tpu.memref_slice %arg3[%run_scoped3A, %dma_wait3A_475] : memref<2x320000xi32, #tpu.memory_space<hbm>> -> memref<1x320000xi32, #tpu.memory_space<hbm>>
      %dma_wait3A_477 = tpu.memref_squeeze %dma_wait3A_476 : memref<1x320000xi32, #tpu.memory_space<hbm>> -> memref<320000xi32, #tpu.memory_space<hbm>>
      %dma_wait3A_478 = tpu.memref_slice %dma_wait3A_477[%add3A_455] : memref<320000xi32, #tpu.memory_space<hbm>> -> memref<16xi32, #tpu.memory_space<hbm>>
      %dma_wait3A_479 = arith.constant 0 : i32
      %dma_wait3A_480 = tpu.memref_slice %arg3[%run_scoped3A, %dma_wait3A_479] : memref<2x320000xi32, #tpu.memory_space<hbm>> -> memref<1x320000xi32, #tpu.memory_space<hbm>>
      %dma_wait3A_481 = tpu.memref_squeeze %dma_wait3A_480 : memref<1x320000xi32, #tpu.memory_space<hbm>> -> memref<320000xi32, #tpu.memory_space<hbm>>
      %dma_wait3A_482 = tpu.memref_slice %dma_wait3A_481[%add3A_455] : memref<320000xi32, #tpu.memory_space<hbm>> -> memref<16xi32, #tpu.memory_space<hbm>>
      tpu.wait_dma2 semaphore(%run_scoped3A_466 : memref<!tpu.dma_semaphore, #tpu.memory_space<semaphore_mem>>) src(%dma_wait3A_482 : memref<16xi32, #tpu.memory_space<hbm>>) dst(%arg18 : memref<16xi32, #tpu.memory_space<vmem>>)
      tpu.yield
    }) : () -> ()
    %run_scoped3A_456 = arith.constant 0 : i32
    "tpu.region"() ({
      %run_scoped3A_466 = tpu.sem_alloc : memref<!tpu.dma_semaphore, #tpu.memory_space<semaphore_mem>>
      %dma_start3A_467 = arith.constant 0 : i32
      %dma_start3A_468 = tpu.memref_slice %arg3[%run_scoped3A_456, %dma_start3A_467] : memref<2x320000xi32, #tpu.memory_space<hbm>> -> memref<1x320000xi32, #tpu.memory_space<hbm>>
      %dma_start3A_469 = tpu.memref_squeeze %dma_start3A_468 : memref<1x320000xi32, #tpu.memory_space<hbm>> -> memref<320000xi32, #tpu.memory_space<hbm>>
      %dma_start3A_470 = tpu.memref_slice %dma_start3A_469[%add3A_455] : memref<320000xi32, #tpu.memory_space<hbm>> -> memref<16xi32, #tpu.memory_space<hbm>>
      %dma_start3A_471 = arith.constant 0 : i32
      %dma_start3A_472 = tpu.memref_slice %arg3[%run_scoped3A_456, %dma_start3A_471] : memref<2x320000xi32, #tpu.memory_space<hbm>> -> memref<1x320000xi32, #tpu.memory_space<hbm>>
      %dma_start3A_473 = tpu.memref_squeeze %dma_start3A_472 : memref<1x320000xi32, #tpu.memory_space<hbm>> -> memref<320000xi32, #tpu.memory_space<hbm>>
      %dma_start3A_474 = tpu.memref_slice %dma_start3A_473[%add3A_455] : memref<320000xi32, #tpu.memory_space<hbm>> -> memref<16xi32, #tpu.memory_space<hbm>>
      tpu.enqueue_dma source(%dma_start3A_474 : memref<16xi32, #tpu.memory_space<hbm>>) target(%arg19 : memref<16xi32, #tpu.memory_space<vmem>>) target_semaphore(%run_scoped3A_466 : memref<!tpu.dma_semaphore, #tpu.memory_space<semaphore_mem>>)
      %dma_wait3A_475 = arith.constant 0 : i32
      %dma_wait3A_476 = tpu.memref_slice %arg3[%run_scoped3A_456, %dma_wait3A_475] : memref<2x320000xi32, #tpu.memory_space<hbm>> -> memref<1x320000xi32, #tpu.memory_space<hbm>>
      %dma_wait3A_477 = tpu.memref_squeeze %dma_wait3A_476 : memref<1x320000xi32, #tpu.memory_space<hbm>> -> memref<320000xi32, #tpu.memory_space<hbm>>
      %dma_wait3A_478 = tpu.memref_slice %dma_wait3A_477[%add3A_455] : memref<320000xi32, #tpu.memory_space<hbm>> -> memref<16xi32, #tpu.memory_space<hbm>>
      %dma_wait3A_479 = arith.constant 0 : i32
      %dma_wait3A_480 = tpu.memref_slice %arg3[%run_scoped3A_456, %dma_wait3A_479] : memref<2x320000xi32, #tpu.memory_space<hbm>> -> memref<1x320000xi32, #tpu.memory_space<hbm>>
      %dma_wait3A_481 = tpu.memref_squeeze %dma_wait3A_480 : memref<1x320000xi32, #tpu.memory_space<hbm>> -> memref<320000xi32, #tpu.memory_space<hbm>>
      %dma_wait3A_482 = tpu.memref_slice %dma_wait3A_481[%add3A_455] : memref<320000xi32, #tpu.memory_space<hbm>> -> memref<16xi32, #tpu.memory_space<hbm>>
      tpu.wait_dma2 semaphore(%run_scoped3A_466 : memref<!tpu.dma_semaphore, #tpu.memory_space<semaphore_mem>>) src(%dma_wait3A_482 : memref<16xi32, #tpu.memory_space<hbm>>) dst(%arg19 : memref<16xi32, #tpu.memory_space<vmem>>)
      tpu.yield
    }) : () -> ()
    %dma_start3A_457 = arith.constant 0 : i32
    %dma_start3A_458 = arith.constant 0 : i32
    %dma_start3A_459 = tpu.memref_slice %arg2[%dma_start3A_457, %dma_start3A_458] : memref<10000x128xf32, #tpu.memory_space<hbm>> -> memref<10000x128xf32, #tpu.memory_space<hbm>>
    tpu.enqueue_indirect_dma source(%dma_start3A_459 : memref<10000x128xf32, #tpu.memory_space<hbm>>) target(%arg20 : memref<16x128xf32, #tpu.memory_space<vmem>>) offsets(%arg18 : memref<16xi32, #tpu.memory_space<vmem>>) semaphore(%arg30 : memref<!tpu.dma_semaphore, #tpu.memory_space<semaphore_mem>>)
    %dma_wait3A_460 = arith.constant 0 : i32
    %dma_wait3A_461 = arith.constant 0 : i32
    %dma_wait3A_462 = tpu.memref_slice %arg2[%dma_wait3A_460, %dma_wait3A_461] : memref<10000x128xf32, #tpu.memory_space<hbm>> -> memref<10000x128xf32, #tpu.memory_space<hbm>>
    tpu.wait_indirect_dma semaphore(%arg30 : memref<!tpu.dma_semaphore, #tpu.memory_space<semaphore_mem>>) src(%dma_wait3A_462 : memref<10000x128xf32, #tpu.memory_space<hbm>>) dst(%arg20 : memref<16x128xf32, #tpu.memory_space<vmem>>)
    "tpu.region"() ({
      %run_scoped3A_466 = tpu.sem_alloc : memref<!tpu.dma_semaphore, #tpu.memory_space<semaphore_mem>>
      %dma_start3A_467 = arith.constant 0 : i32
      %dma_start3A_468 = arith.constant 0 : i32
      %dma_start3A_469 = tpu.memref_slice %arg21[%dma_start3A_467, %dma_start3A_468] : memref<10240x128xf32, #tpu.memory_space<vmem_shared>> -> memref<10240x128xf32, #tpu.memory_space<vmem_shared>>
      tpu.enqueue_indirect_dma source(%arg20 : memref<16x128xf32, #tpu.memory_space<vmem>>) target(%dma_start3A_469 : memref<10240x128xf32, #tpu.memory_space<vmem_shared>>) offsets(%arg19 : memref<16xi32, #tpu.memory_space<vmem>>) semaphore(%run_scoped3A_466 : memref<!tpu.dma_semaphore, #tpu.memory_space<semaphore_mem>>) {add = true}
      %dma_wait3A_470 = arith.constant 0 : i32
      %dma_wait3A_471 = arith.constant 0 : i32
      %dma_wait3A_472 = tpu.memref_slice %arg21[%dma_wait3A_470, %dma_wait3A_471] : memref<10240x128xf32, #tpu.memory_space<vmem_shared>> -> memref<10240x128xf32, #tpu.memory_space<vmem_shared>>
      tpu.wait_indirect_dma semaphore(%run_scoped3A_466 : memref<!tpu.dma_semaphore, #tpu.memory_space<semaphore_mem>>) src(%arg20 : memref<16x128xf32, #tpu.memory_space<vmem>>) dst(%dma_wait3A_472 : memref<10240x128xf32, #tpu.memory_space<vmem_shared>>)
      tpu.yield
    }) : () -> ()
    %get3A_463 = arith.constant 0 : index
    %get3A_464 = tpu.vector_load %arg19[%get3A_463] {strides = array<i32>} : memref<16xi32, #tpu.memory_space<vmem>>, vector<16xi32>,
    tpu.vector_store_idx %arg17[%get3A_464], %broadcast_in_dim3A_3 {add = true} : memref<10240xf32, #tpu.memory_space<vmem>>[vector<16xi32>], vector<16xf32>,
    "tpu.region"() ({
      %run_scoped3A_466 = tpu.sem_alloc : memref<!tpu.dma_semaphore, #tpu.memory_space<semaphore_mem>>
      %dma_start3A_467 = arith.constant 0 : i32
      %dma_start3A_468 = tpu.memref_slice %arg6[%add3A, %dma_start3A_467] : memref<32x10240xf32, #tpu.memory_space<hbm>> -> memref<1x10240xf32, #tpu.memory_space<hbm>>
      %dma_start3A_469 = tpu.memref_squeeze %dma_start3A_468 : memref<1x10240xf32, #tpu.memory_space<hbm>> -> memref<10240xf32, #tpu.memory_space<hbm>>
      %dma_start3A_470 = arith.constant 0 : i32
      %dma_start3A_471 = tpu.memref_slice %arg6[%add3A, %dma_start3A_470] : memref<32x10240xf32, #tpu.memory_space<hbm>> -> memref<1x10240xf32, #tpu.memory_space<hbm>>
      %dma_start3A_472 = tpu.memref_squeeze %dma_start3A_471 : memref<1x10240xf32, #tpu.memory_space<hbm>> -> memref<10240xf32, #tpu.memory_space<hbm>>
      tpu.enqueue_dma source(%arg17 : memref<10240xf32, #tpu.memory_space<vmem>>) target(%dma_start3A_472 : memref<10240xf32, #tpu.memory_space<hbm>>) target_semaphore(%run_scoped3A_466 : memref<!tpu.dma_semaphore, #tpu.memory_space<semaphore_mem>>)
      %dma_wait3A_473 = arith.constant 0 : i32
      %dma_wait3A_474 = tpu.memref_slice %arg6[%add3A, %dma_wait3A_473] : memref<32x10240xf32, #tpu.memory_space<hbm>> -> memref<1x10240xf32, #tpu.memory_space<hbm>>
      %dma_wait3A_475 = tpu.memref_squeeze %dma_wait3A_474 : memref<1x10240xf32, #tpu.memory_space<hbm>> -> memref<10240xf32, #tpu.memory_space<hbm>>
      %dma_wait3A_476 = arith.constant 0 : i32
      %dma_wait3A_477 = tpu.memref_slice %arg6[%add3A, %dma_wait3A_476] : memref<32x10240xf32, #tpu.memory_space<hbm>> -> memref<1x10240xf32, #tpu.memory_space<hbm>>
      %dma_wait3A_478 = tpu.memref_squeeze %dma_wait3A_477 : memref<1x10240xf32, #tpu.memory_space<hbm>> -> memref<10240xf32, #tpu.memory_space<hbm>>
      tpu.wait_dma2 semaphore(%run_scoped3A_466 : memref<!tpu.dma_semaphore, #tpu.memory_space<semaphore_mem>>) src(%arg17 : memref<10240xf32, #tpu.memory_space<vmem>>) dst(%dma_wait3A_478 : memref<10240xf32, #tpu.memory_space<hbm>>)
      tpu.yield
    }) : () -> ()
    %barrier3A_465 = arith.constant 0 : index
    tpu.barrier barrier_id(%barrier3A_465)
    "tpu.region"() ({
      %run_scoped3A_466 = tpu.sem_alloc : memref<!tpu.dma_semaphore, #tpu.memory_space<semaphore_mem>>
      %dma_start3A_467 = arith.constant 0 : i32
      %dma_start3A_468 = tpu.memref_slice %arg5[%arg0, %mul3A_7, %dma_start3A_467] : memref<2x10240x128xf32, #tpu.memory_space<hbm>> -> memref<1x640x128xf32, #tpu.memory_space<hbm>>
      %dma_start3A_469 = tpu.memref_squeeze %dma_start3A_468 : memref<1x640x128xf32, #tpu.memory_space<hbm>> -> memref<640x128xf32, #tpu.memory_space<hbm>>
      %dma_start3A_470 = arith.constant 0 : i32
      %dma_start3A_471 = tpu.memref_slice %arg21[%mul3A_7, %dma_start3A_470] : memref<10240x128xf32, #tpu.memory_space<vmem_shared>> -> memref<640x128xf32, #tpu.memory_space<vmem_shared>>
      tpu.enqueue_dma source(%dma_start3A_471 : memref<640x128xf32, #tpu.memory_space<vmem_shared>>) target(%dma_start3A_469 : memref<640x128xf32, #tpu.memory_space<hbm>>) target_semaphore(%run_scoped3A_466 : memref<!tpu.dma_semaphore, #tpu.memory_space<semaphore_mem>>)
      %dma_wait3A_472 = arith.constant 0 : i32
      %dma_wait3A_473 = tpu.memref_slice %arg5[%arg0, %mul3A_7, %dma_wait3A_472] : memref<2x10240x128xf32, #tpu.memory_space<hbm>> -> memref<1x640x128xf32, #tpu.memory_space<hbm>>
      %dma_wait3A_474 = tpu.memref_squeeze %dma_wait3A_473 : memref<1x640x128xf32, #tpu.memory_space<hbm>> -> memref<640x128xf32, #tpu.memory_space<hbm>>
      %dma_wait3A_475 = arith.constant 0 : i32
      %dma_wait3A_476 = tpu.memref_slice %arg21[%mul3A_7, %dma_wait3A_475] : memref<10240x128xf32, #tpu.memory_space<vmem_shared>> -> memref<640x128xf32, #tpu.memory_space<vmem_shared>>
      tpu.wait_dma2 semaphore(%run_scoped3A_466 : memref<!tpu.dma_semaphore, #tpu.memory_space<semaphore_mem>>) src(%dma_wait3A_476 : memref<640x128xf32, #tpu.memory_space<vmem_shared>>) dst(%dma_wait3A_474 : memref<640x128xf32, #tpu.memory_space<hbm>>)
      tpu.yield
    }) : () -> ()
    return
  }
}

module attributes {stable_mosaic.version = 14 : i64} {
  func.func @_tc_pre_kernel(%arg0: i32, %arg1: memref<2048x128xf32, #tpu.memory_space<vmem>>, %arg2: memref<256x384xf32, #tpu.memory_space<vmem>>, %arg3: memref<1x384xf32, #tpu.memory_space<vmem>>, %arg4: memref<512x256xf32, #tpu.memory_space<vmem>>, %arg5: memref<1x256xf32, #tpu.memory_space<vmem>>, %arg6: memref<2048x256xf32, #tpu.memory_space<vmem>>, %arg7: memref<2048x256xf32, #tpu.memory_space<vmem>>, %arg8: memref<128x256xf32, #tpu.memory_space<vmem>>) attributes {dimension_semantics = [#tpu.dimension_semantics<arbitrary>], iteration_bounds = array<i64: 5>, scalar_prefetch = 0 : i64, scratch_operands = 0 : i64, tpu.core_type = #tpu.core_type<tc>, window_params = [{transform_indices = @transform_0, window_bounds = array<i64: 2048, 128>}, {pipeline_mode = #tpu.pipeline_mode<synchronous>, transform_indices = @transform_1, window_bounds = array<i64: 256, 384>}, {pipeline_mode = #tpu.pipeline_mode<synchronous>, transform_indices = @transform_2, window_bounds = array<i64: 1, 384>}, {pipeline_mode = #tpu.pipeline_mode<synchronous>, transform_indices = @transform_3, window_bounds = array<i64: 512, 256>}, {pipeline_mode = #tpu.pipeline_mode<synchronous>, transform_indices = @transform_4, window_bounds = array<i64: 1, 256>}, {transform_indices = @transform_5, window_bounds = array<i64: 2048, 256>}, {transform_indices = @transform_6, window_bounds = array<i64: 2048, 256>}, {pipeline_mode = #tpu.pipeline_mode<synchronous>, transform_indices = @transform_7, window_bounds = array<i64: 128, 256>}]} {
    %get3A = arith.constant 0 : index
    %get3A_0 = arith.constant 0 : index
    %get3A_1 = vector.load %arg1[%get3A, %get3A_0] : memref<2048x128xf32, #tpu.memory_space<vmem>>, vector<2048x128xf32>
    %get3A_2 = arith.constant 0 : index
    %get3A_3 = arith.constant 0 : index
    %get3A_4 = vector.load %arg2[%get3A_2, %get3A_3] : memref<256x384xf32, #tpu.memory_space<vmem>>, vector<256x384xf32>
    %get3A_5 = arith.constant 0 : index
    %get3A_6 = arith.constant 0 : index
    %get3A_7 = vector.load %arg4[%get3A_5, %get3A_6] : memref<512x256xf32, #tpu.memory_space<vmem>>, vector<384x256xf32>
    %slice3A = vector.extract_strided_slice %get3A_4 {offsets = [128, 0], sizes = [128, 384], strides = [1, 1]} : vector<256x384xf32> to vector<128x384xf32>
    %dot_general3A = arith.constant dense<0.000000e+00> : vector<2048x384xf32>
    %dot_general3A_8 = tpu.matmul %get3A_1, %slice3A, %dot_general3A {dimension_numbers = #tpu.dot_dimension_numbers<[1], [0], [0], [1], [0, 0, 1, 1], [], []>, transpose_lhs_hint = false} : vector<2048x128xf32>, vector<128x384xf32>, vector<2048x384xf32> -> vector<2048x384xf32>
    %get3A_9 = arith.constant 0 : index
    %get3A_10 = arith.constant 0 : index
    %get3A_11 = vector.load %arg3[%get3A_9, %get3A_10] : memref<1x384xf32, #tpu.memory_space<vmem>>, vector<1x384xf32>
    %add3A = vector.broadcast %get3A_11 : vector<1x384xf32> to vector<2048x384xf32>
    %add3A_12 = arith.addf %dot_general3A_8, %add3A : vector<2048x384xf32>
    %dot_general3A_13 = arith.constant dense<0.000000e+00> : vector<2048x256xf32>
    %dot_general3A_14 = tpu.matmul %add3A_12, %get3A_7, %dot_general3A_13 {dimension_numbers = #tpu.dot_dimension_numbers<[1], [0], [0], [1], [0, 0, 1, 1], [], []>, transpose_lhs_hint = false} : vector<2048x384xf32>, vector<384x256xf32>, vector<2048x256xf32> -> vector<2048x256xf32>
    %swap3A = arith.constant 0 : index
    %swap3A_15 = arith.constant 0 : index
    %swap3A_16 = vector.load %arg6[%swap3A, %swap3A_15] : memref<2048x256xf32, #tpu.memory_space<vmem>>, vector<2048x256xf32>
    tpu.vector_store %arg6[%swap3A, %swap3A_15], %dot_general3A_14 {strides = array<i32>} : memref<2048x256xf32, #tpu.memory_space<vmem>>, vector<2048x256xf32>,
    %get3A_17 = arith.constant 384 : index
    %get3A_18 = arith.constant 0 : index
    %get3A_19 = vector.load %arg4[%get3A_17, %get3A_18] : memref<512x256xf32, #tpu.memory_space<vmem>>, vector<128x256xf32>
    %dot_general3A_20 = arith.constant dense<0.000000e+00> : vector<2048x256xf32>
    %dot_general3A_21 = tpu.matmul %get3A_1, %get3A_19, %dot_general3A_20 {dimension_numbers = #tpu.dot_dimension_numbers<[1], [0], [0], [1], [0, 0, 1, 1], [], []>, transpose_lhs_hint = false} : vector<2048x128xf32>, vector<128x256xf32>, vector<2048x256xf32> -> vector<2048x256xf32>
    %get3A_22 = arith.constant 0 : index
    %get3A_23 = arith.constant 0 : index
    %get3A_24 = vector.load %arg5[%get3A_22, %get3A_23] : memref<1x256xf32, #tpu.memory_space<vmem>>, vector<1x256xf32>
    %add3A_25 = vector.broadcast %get3A_24 : vector<1x256xf32> to vector<2048x256xf32>
    %add3A_26 = arith.addf %dot_general3A_21, %add3A_25 : vector<2048x256xf32>
    %swap3A_27 = arith.constant 0 : index
    %swap3A_28 = arith.constant 0 : index
    %swap3A_29 = vector.load %arg7[%swap3A_27, %swap3A_28] : memref<2048x256xf32, #tpu.memory_space<vmem>>, vector<2048x256xf32>
    tpu.vector_store %arg7[%swap3A_27, %swap3A_28], %add3A_26 {strides = array<i32>} : memref<2048x256xf32, #tpu.memory_space<vmem>>, vector<2048x256xf32>,
    %eq3A = arith.constant 0 : i32
    %eq3A_30 = arith.cmpi eq, %arg0, %eq3A : i32
    %convert_element_type3A = arith.extui %eq3A_30 : i1 to i32
    %cond3A = arith.constant 0 : i32
    %cond3A_31 = arith.cmpi ne, %convert_element_type3A, %cond3A : i32
    scf.if %cond3A_31 {
      %slice3A_32 = vector.extract_strided_slice %get3A_4 {offsets = [0, 0], sizes = [128, 384], strides = [1, 1]} : vector<256x384xf32> to vector<128x384xf32>
      %dot_general3A_33 = arith.constant dense<0.000000e+00> : vector<128x256xf32>
      %dot_general3A_34 = tpu.matmul %slice3A_32, %get3A_7, %dot_general3A_33 {dimension_numbers = #tpu.dot_dimension_numbers<[1], [0], [0], [1], [0, 0, 1, 1], [], []>, transpose_lhs_hint = false} : vector<128x384xf32>, vector<384x256xf32>, vector<128x256xf32> -> vector<128x256xf32>
      %swap3A_35 = arith.constant 0 : index
      %swap3A_36 = arith.constant 0 : index
      %swap3A_37 = vector.load %arg8[%swap3A_35, %swap3A_36] : memref<128x256xf32, #tpu.memory_space<vmem>>, vector<128x256xf32>
      tpu.vector_store %arg8[%swap3A_35, %swap3A_36], %dot_general3A_34 {strides = array<i32>} : memref<128x256xf32, #tpu.memory_space<vmem>>, vector<128x256xf32>,
    } else {
    }
    return
  }
  func.func @transform_0(%arg0: i32) -> (i32, i32) {
    %c0_i32 = arith.constant 0 : i32
    %c0_i32_0 = arith.constant 0 : i32
    return %arg0, %c0_i32 : i32, i32
  }
  func.func @transform_1(%arg0: i32) -> (i32, i32) {
    %c0_i32 = arith.constant 0 : i32
    %c0_i32_0 = arith.constant 0 : i32
    %c0_i32_1 = arith.constant 0 : i32
    return %c0_i32, %c0_i32_0 : i32, i32
  }
  func.func @transform_2(%arg0: i32) -> (i32, i32) {
    %c0_i32 = arith.constant 0 : i32
    %c0_i32_0 = arith.constant 0 : i32
    %c0_i32_1 = arith.constant 0 : i32
    return %c0_i32, %c0_i32_0 : i32, i32
  }
  func.func @transform_3(%arg0: i32) -> (i32, i32) {
    %c0_i32 = arith.constant 0 : i32
    %c0_i32_0 = arith.constant 0 : i32
    %c0_i32_1 = arith.constant 0 : i32
    return %c0_i32, %c0_i32_0 : i32, i32
  }
  func.func @transform_4(%arg0: i32) -> (i32, i32) {
    %c0_i32 = arith.constant 0 : i32
    %c0_i32_0 = arith.constant 0 : i32
    %c0_i32_1 = arith.constant 0 : i32
    return %c0_i32, %c0_i32_0 : i32, i32
  }
  func.func @transform_5(%arg0: i32) -> (i32, i32) {
    %c0_i32 = arith.constant 0 : i32
    %c0_i32_0 = arith.constant 0 : i32
    return %arg0, %c0_i32 : i32, i32
  }
  func.func @transform_6(%arg0: i32) -> (i32, i32) {
    %c0_i32 = arith.constant 0 : i32
    %c0_i32_0 = arith.constant 0 : i32
    return %arg0, %c0_i32 : i32, i32
  }
  func.func @transform_7(%arg0: i32) -> (i32, i32) {
    %c0_i32 = arith.constant 0 : i32
    %c0_i32_0 = arith.constant 0 : i32
    %c0_i32_1 = arith.constant 0 : i32
    return %c0_i32, %c0_i32_0 : i32, i32
  }
}

module attributes {stable_mosaic.version = 14 : i64} {
  func.func @_tc_post_kernel(%arg0: i32, %arg1: memref<2x2048x128xf32, #tpu.memory_space<vmem>>, %arg2: memref<32x2048xf32, #tpu.memory_space<vmem>>, %arg3: memref<2048x128xf32, #tpu.memory_space<vmem>>, %arg4: memref<2048x256xf32, #tpu.memory_space<vmem>>, %arg5: memref<2048x256xf32, #tpu.memory_space<vmem>>, %arg6: memref<128x256xf32, #tpu.memory_space<vmem>>, %arg7: memref<256x128xf32, #tpu.memory_space<vmem>>, %arg8: memref<1x128xf32, #tpu.memory_space<vmem>>, %arg9: memref<2048x128xf32, #tpu.memory_space<vmem>>) attributes {dimension_semantics = [#tpu.dimension_semantics<arbitrary>], iteration_bounds = array<i64: 5>, scalar_prefetch = 0 : i64, scratch_operands = 0 : i64, tpu.core_type = #tpu.core_type<tc>, window_params = [{transform_indices = @transform_0, window_bounds = array<i64: 2, 2048, 128>}, {transform_indices = @transform_1, window_bounds = array<i64: 32, 2048>}, {transform_indices = @transform_2, window_bounds = array<i64: 2048, 128>}, {transform_indices = @transform_3, window_bounds = array<i64: 2048, 256>}, {transform_indices = @transform_4, window_bounds = array<i64: 2048, 256>}, {pipeline_mode = #tpu.pipeline_mode<synchronous>, transform_indices = @transform_5, window_bounds = array<i64: 128, 256>}, {pipeline_mode = #tpu.pipeline_mode<synchronous>, transform_indices = @transform_6, window_bounds = array<i64: 256, 128>}, {pipeline_mode = #tpu.pipeline_mode<synchronous>, transform_indices = @transform_7, window_bounds = array<i64: 1, 128>}, {transform_indices = @transform_8, window_bounds = array<i64: 2048, 128>}]} {
    %get3A = arith.constant 0 : index
    %get3A_0 = arith.constant 0 : index
    %get3A_1 = arith.constant 0 : index
    %get3A_2 = vector.load %arg1[%get3A, %get3A_0, %get3A_1] : memref<2x2048x128xf32, #tpu.memory_space<vmem>>, vector<1x2048x128xf32>
    %get3A_3 = vector.shape_cast %get3A_2 : vector<1x2048x128xf32> to vector<2048x128xf32>
    %get3A_4 = arith.constant 1 : index
    %get3A_5 = arith.constant 0 : index
    %get3A_6 = arith.constant 0 : index
    %get3A_7 = vector.load %arg1[%get3A_4, %get3A_5, %get3A_6] : memref<2x2048x128xf32, #tpu.memory_space<vmem>>, vector<1x2048x128xf32>
    %get3A_8 = vector.shape_cast %get3A_7 : vector<1x2048x128xf32> to vector<2048x128xf32>
    %add3A = arith.addf %get3A_3, %get3A_8 : vector<2048x128xf32>
    %get3A_9 = arith.constant 0 : index
    %get3A_10 = arith.constant 0 : index
    %get3A_11 = vector.load %arg2[%get3A_9, %get3A_10] : memref<32x2048xf32, #tpu.memory_space<vmem>>, vector<32x2048xf32>
    %broadcast_in_dim3A = arith.constant 1.000000e+00 : f32
    %broadcast_in_dim3A_12 = vector.broadcast %broadcast_in_dim3A : f32 to vector<32x1xf32>
    %dot_general3A = arith.constant dense<0.000000e+00> : vector<2048x1xf32>
    %dot_general3A_13 = tpu.matmul %get3A_11, %broadcast_in_dim3A_12, %dot_general3A {dimension_numbers = #tpu.dot_dimension_numbers<[0], [0], [1], [1], [0, 1, 1, 1], [], []>, transpose_lhs_hint = false} : vector<32x2048xf32>, vector<32x1xf32>, vector<2048x1xf32> -> vector<2048x1xf32>
    %get3A_14 = arith.constant 0 : index
    %get3A_15 = arith.constant 0 : index
    %get3A_16 = vector.load %arg6[%get3A_14, %get3A_15] : memref<128x256xf32, #tpu.memory_space<vmem>>, vector<128x256xf32>
    %dot_general3A_17 = arith.constant dense<0.000000e+00> : vector<2048x256xf32>
    %dot_general3A_18 = tpu.matmul %add3A, %get3A_16, %dot_general3A_17 {dimension_numbers = #tpu.dot_dimension_numbers<[1], [0], [0], [1], [0, 0, 1, 1], [], []>, transpose_lhs_hint = false} : vector<2048x128xf32>, vector<128x256xf32>, vector<2048x256xf32> -> vector<2048x256xf32>
    %get3A_19 = arith.constant 0 : index
    %get3A_20 = arith.constant 0 : index
    %get3A_21 = vector.load %arg4[%get3A_19, %get3A_20] : memref<2048x256xf32, #tpu.memory_space<vmem>>, vector<2048x256xf32>
    %mul3A = vector.broadcast %dot_general3A_13 : vector<2048x1xf32> to vector<2048x256xf32>
    %mul3A_22 = arith.mulf %mul3A, %get3A_21 : vector<2048x256xf32>
    %add3A_23 = arith.addf %dot_general3A_18, %mul3A_22 : vector<2048x256xf32>
    %get3A_24 = arith.constant 0 : index
    %get3A_25 = arith.constant 0 : index
    %get3A_26 = vector.load %arg5[%get3A_24, %get3A_25] : memref<2048x256xf32, #tpu.memory_space<vmem>>, vector<2048x256xf32>
    %add3A_27 = arith.addf %add3A_23, %get3A_26 : vector<2048x256xf32>
    %max3A = arith.constant 0.000000e+00 : f32
    %max3A_28 = vector.broadcast %max3A : f32 to vector<2048x256xf32>
    %max3A_29 = arith.maximumf %add3A_27, %max3A_28 : vector<2048x256xf32>
    %get3A_30 = arith.constant 0 : index
    %get3A_31 = arith.constant 0 : index
    %get3A_32 = vector.load %arg3[%get3A_30, %get3A_31] : memref<2048x128xf32, #tpu.memory_space<vmem>>, vector<2048x128xf32>
    %get3A_33 = arith.constant 0 : index
    %get3A_34 = arith.constant 0 : index
    %get3A_35 = vector.load %arg7[%get3A_33, %get3A_34] : memref<256x128xf32, #tpu.memory_space<vmem>>, vector<256x128xf32>
    %dot_general3A_36 = arith.constant dense<0.000000e+00> : vector<2048x128xf32>
    %dot_general3A_37 = tpu.matmul %max3A_29, %get3A_35, %dot_general3A_36 {dimension_numbers = #tpu.dot_dimension_numbers<[1], [0], [0], [1], [0, 0, 1, 1], [], []>, transpose_lhs_hint = false} : vector<2048x256xf32>, vector<256x128xf32>, vector<2048x128xf32> -> vector<2048x128xf32>
    %add3A_38 = arith.addf %get3A_32, %dot_general3A_37 : vector<2048x128xf32>
    %get3A_39 = arith.constant 0 : index
    %get3A_40 = arith.constant 0 : index
    %get3A_41 = vector.load %arg8[%get3A_39, %get3A_40] : memref<1x128xf32, #tpu.memory_space<vmem>>, vector<1x128xf32>
    %add3A_42 = vector.broadcast %get3A_41 : vector<1x128xf32> to vector<2048x128xf32>
    %add3A_43 = arith.addf %add3A_38, %add3A_42 : vector<2048x128xf32>
    %swap3A = arith.constant 0 : index
    %swap3A_44 = arith.constant 0 : index
    %swap3A_45 = vector.load %arg9[%swap3A, %swap3A_44] : memref<2048x128xf32, #tpu.memory_space<vmem>>, vector<2048x128xf32>
    tpu.vector_store %arg9[%swap3A, %swap3A_44], %add3A_43 {strides = array<i32>} : memref<2048x128xf32, #tpu.memory_space<vmem>>, vector<2048x128xf32>,
    return
  }
  func.func @transform_0(%arg0: i32) -> (i32, i32, i32) {
    %c0_i32 = arith.constant 0 : i32
    %c0_i32_0 = arith.constant 0 : i32
    %c0_i32_1 = arith.constant 0 : i32
    return %c0_i32, %arg0, %c0_i32_0 : i32, i32, i32
  }
  func.func @transform_1(%arg0: i32) -> (i32, i32) {
    %c0_i32 = arith.constant 0 : i32
    %c0_i32_0 = arith.constant 0 : i32
    return %c0_i32, %arg0 : i32, i32
  }
  func.func @transform_2(%arg0: i32) -> (i32, i32) {
    %c0_i32 = arith.constant 0 : i32
    %c0_i32_0 = arith.constant 0 : i32
    return %arg0, %c0_i32 : i32, i32
  }
  func.func @transform_3(%arg0: i32) -> (i32, i32) {
    %c0_i32 = arith.constant 0 : i32
    %c0_i32_0 = arith.constant 0 : i32
    return %arg0, %c0_i32 : i32, i32
  }
  func.func @transform_4(%arg0: i32) -> (i32, i32) {
    %c0_i32 = arith.constant 0 : i32
    %c0_i32_0 = arith.constant 0 : i32
    return %arg0, %c0_i32 : i32, i32
  }
  func.func @transform_5(%arg0: i32) -> (i32, i32) {
    %c0_i32 = arith.constant 0 : i32
    %c0_i32_0 = arith.constant 0 : i32
    %c0_i32_1 = arith.constant 0 : i32
    return %c0_i32, %c0_i32_0 : i32, i32
  }
  func.func @transform_6(%arg0: i32) -> (i32, i32) {
    %c0_i32 = arith.constant 0 : i32
    %c0_i32_0 = arith.constant 0 : i32
    %c0_i32_1 = arith.constant 0 : i32
    return %c0_i32, %c0_i32_0 : i32, i32
  }
  func.func @transform_7(%arg0: i32) -> (i32, i32) {
    %c0_i32 = arith.constant 0 : i32
    %c0_i32_0 = arith.constant 0 : i32
    %c0_i32_1 = arith.constant 0 : i32
    return %c0_i32, %c0_i32_0 : i32, i32
  }
  func.func @transform_8(%arg0: i32) -> (i32, i32) {
    %c0_i32 = arith.constant 0 : i32
    %c0_i32_0 = arith.constant 0 : i32
    return %arg0, %c0_i32 : i32, i32
  }
}

</mosaic_0001>

<sc_bundles>
// kernel: kernel.5.cloned.1.call-start
scs
__scs_entry_jumppad:
0x0: {  	(pc) =	sbr.rel $0x88, $3  }
0x1: {  	(tag) =	ssettag $0x0;
	lr =	simm.s32 $0x1  }
0x2: {  	[smem:$0x3F99] =	sst lr;
	_ =	strace $0xD0000000  }
0x3: {  	_ = 	snop  }
0x4: {  	_ = 	snop  }
0x5: {  	_ = 	snop  }
0x6: {  	_ = 	snop  }
0x7: {  	_ = 	snop  }
__scs_overlays_trampoline_lowered:
0x8: {  	[smem:$0x3FA8] =	sst s0  }
0x9: {  	[smem:$0x3FA9] =	sst s1  }
0xa: {  	[smem:$0x3FAA] =	sst s2  }
0xb: {  	[smem:$0x3FAB] =	sst s3  }
0xc: {  	[smem:$0x3FAC] =	sst s4  }
0xd: {  	[smem:$0x3FAD] =	sst s5  }
0xe: {  	[smem:$0x3FAE] =	sst s6  }
0xf: {  	[smem:$0x3FAF] =	sst s7  }
0x10: {  	[smem:$0x3FB0] =	sst s8  }
0x11: {  	[smem:$0x3FB1] =	sst s9;
	s0 =	simm.s32 @!p0 $0x0  }
0x12: {  	s1 =	sld [smem:$0x3F97];
	s0 =	simm.s32 @p0 $0x1  }
0x13: {  	[smem:$0x3FB2] =	sst s0;
	s0 =	simm.s32 @!p1 $0x0  }
0x14: {  	s2 =	sld [smem:$0x3F96];
	s0 =	simm.s32 @p1 $0x1  }
0x15: {  	[smem:$0x3FB3] =	sst s0;
	s0 =	simm.s32 @!p2 $0x0  }
0x16: {  	s3 =	sld [smem:$0x3FDB];
	s0 =	simm.s32 @p2 $0x1  }
0x17: {  	s4 =	simm.s32 $0x1BF5;
	[smem:$0x3FB5] =	sst s0  }
0x18: {  	s0 =	sld [smem:$0x3F98];
	_ =	swait.ge [sflag:s4], $0x0  }
0x19: {  	s7 =	sld [smem:$0x3F99]  }
0x1a: {  	s8 =	sadd.s32 $0xFFFFE003, lr  }
0x1b: {  	s9 =	sadd.s32 $0xFFFFFEF7, lr;
	s5 =	simm.s32 $0xFFFFFFFF;
	p2 =	slt.u32 s8, $0xFFFFF086  }
0x1c: {  	p1 =	slt.u32 s9, $0xF7A;
	s5 =	simm.s32 @!p2 $0x0  }
0x1d: {  	s5 =	simm.s32 @p1 $0x1;
	p0 =	seq.s32 s7, s2  }
0x1e: {  	s7 =	smul.u32 @!p0 $0xF7A, s2;
	p2 =	seq.s32 @!p0 s5, $0x0  }
0x1f: {  	s9 =	smul.u32 $0xF7A, s1;
	s8 =	simm.s32 @!p0 $0x1BF5;
	p2 =	por !p2, p0  }
0x20: {  	[sflag:s8] =	ssyncset.s32 @!p0 $0xFFFFF086;
	s6 =	sadd.s32 @!p0 s3, s7;
	s7 =	simm.s32 @!p0 $0x108  }
0x21: {  	s3 =	sadd.s32 s3, s9;
	s6 =	sadd.s32 @!p0 $0x88, s6;
	s7 =	simm.s32 @p2 $0x1082  }
0x22: {  	[simem:s7], [sflag:s8] =	dma.local @!p0 [hbm:s6], $0xF7A  }
0x23: {  	s9 =	sor.u32 $0xD0000000, s2;
	s6 =	simm.s32 $0x108;
	_ =	swait.ge @!p0 [sflag:s8], $0x0  }
0x24: {  	s3 =	sadd.s32 $0x88, s3;
	s6 =	simm.s32 @!p1 $0x1082;
	[sflag:s4] =	ssyncset.s32 $0xFFFFF086  }
0x25: {  	[simem:s6], [sflag:s4] =	dma.local [hbm:s3], $0xF7A  }
0x26: {  	[smem:$0x3F99] =	sst s1;
	(tag) =	ssettag s2;
	_ =	strace s9  }
0x27: {  	s1 =	sld [smem:$0x3FA9]  }
0x28: {  	s2 =	sld [smem:$0x3FAA]  }
0x29: {  	s4 =	sld [smem:$0x3FAC]  }
0x2a: {  	p0 =	seq.s32 s5, $0x0;
	s5 =	sld [smem:$0x3FAD]  }
0x2b: {  	s6 =	sld [smem:$0x3FAE]  }
0x2c: {  	s7 =	sld [smem:$0x3FAF]  }
0x2d: {  	s3 =	simm.s32 $0x108;
	s8 =	sld [smem:$0x3FB0]  }
0x2e: {  	s3 =	simm.s32 @!p0 $0x1082;
	s9 =	sld [smem:$0x3FB1]  }
0x2f: {  	lr =	sadd.s32 s0, s3;
	s0 =	sld [smem:$0x3FA8]  }
0x30: {  	s3 =	sld [smem:$0x3FAB]  }
0x31: {  	[smem:$0x3FB4] =	sst s10  }
0x32: {  	s10 =	sld [smem:$0x3FB2];
	_ =	sdelay $0x3  }
0x33: {  	p0 =	seq.s32 s10, $0x1;
	s10 =	sld [smem:$0x3FB4];
	_ =	sdelay $0x3  }
0x34: {  	[smem:$0x3FB4] =	sst s10  }
0x35: {  	s10 =	sld [smem:$0x3FB3];
	_ =	sdelay $0x3  }
0x36: {  	p1 =	seq.s32 s10, $0x1;
	s10 =	sld [smem:$0x3FB4];
	_ =	sdelay $0x3  }
0x37: {  	[smem:$0x3FB4] =	sst s10  }
0x38: {  	s10 =	sld [smem:$0x3FB5]  }
0x39: {  	_ = 	snop;
	(pc) =	sbr.ind lr, $3  }
0x3a: {  	_ = 	snop  }
0x3b: {  	_ = 	snop  }
0x3c: {  	p2 =	seq.s32 s10, $0x1;
	s10 =	sld [smem:$0x3FB4]  }
0x3d: {  	_ =	shalt  }
0x3e: {  	_ =	shalt  }
0x3f: {  	_ =	shalt  }
0x40: {  	_ =	shalt  }
0x41: {  	_ =	shalt  }
0x42: {  	_ =	shalt  }
0x43: {  	_ =	shalt  }
0x44: {  	_ =	shalt  }
0x45: {  	_ =	shalt  }
0x46: {  	_ =	shalt  }
0x47: {  	_ =	shalt  }
0x48: {  	_ =	shalt  }
0x49: {  	_ =	shalt  }
0x4a: {  	_ =	shalt  }
0x4b: {  	_ =	shalt  }
0x4c: {  	_ =	shalt  }
0x4d: {  	_ =	shalt  }
0x4e: {  	_ =	shalt  }
0x4f: {  	_ =	shalt  }
0x50: {  	_ =	shalt  }
0x51: {  	_ =	shalt  }
0x52: {  	_ =	shalt  }
0x53: {  	_ =	shalt  }
0x54: {  	_ =	shalt  }
0x55: {  	_ =	shalt  }
0x56: {  	_ =	shalt  }
0x57: {  	_ =	shalt  }
0x58: {  	_ =	shalt  }
0x59: {  	_ =	shalt  }
0x5a: {  	_ =	shalt  }
0x5b: {  	_ =	shalt  }
0x5c: {  	_ =	shalt  }
0x5d: {  	_ =	shalt  }
0x5e: {  	_ =	shalt  }
0x5f: {  	_ =	shalt  }
0x60: {  	_ =	shalt  }
0x61: {  	_ =	shalt  }
0x62: {  	_ =	shalt  }
0x63: {  	_ =	shalt  }
0x64: {  	_ =	shalt  }
0x65: {  	_ =	shalt  }
0x66: {  	_ =	shalt  }
0x67: {  	_ =	shalt  }
0x68: {  	_ =	shalt  }
0x69: {  	_ =	shalt  }
0x6a: {  	_ =	shalt  }
0x6b: {  	_ =	shalt  }
0x6c: {  	_ =	shalt  }
0x6d: {  	_ =	shalt  }
0x6e: {  	_ =	shalt  }
0x6f: {  	_ =	shalt  }
0x70: {  	_ =	shalt  }
0x71: {  	_ =	shalt  }
0x72: {  	_ =	shalt  }
0x73: {  	_ =	shalt  }
0x74: {  	_ =	shalt  }
0x75: {  	_ =	shalt  }
0x76: {  	_ =	shalt  }
0x77: {  	_ =	shalt  }
0x78: {  	_ =	shalt  }
0x79: {  	_ =	shalt  }
0x7a: {  	_ =	shalt  }
0x7b: {  	_ =	shalt  }
0x7c: {  	_ =	shalt  }
0x7d: {  	_ =	shalt  }
0x7e: {  	_ =	shalt  }
0x7f: {  	_ =	shalt  }
0x80: {  	_ =	shalt  }
0x81: {  	_ =	shalt  }
0x82: {  	_ =	shalt  }
0x83: {  	_ =	shalt  }
0x84: {  	_ =	shalt  }
0x85: {  	_ =	shalt  }
0x86: {  	_ =	shalt  }
0x87: {  	_ =	shalt  }
.Lfunc_end0:
.L_simem_size_0:
called_computation_lowered:
.L_overlay_start_0:
0x88: {  	s2 =	sld [smem:$0x3FD9]  }
0x89: {  	s3 =	sld [smem:$0x3FFE];
	_ =	sdelay $0x1  }
0x8a: {  	s1 =	srdreg.scid  }
0x8b: {  	s0 =	sand.u32 $0x1, s1  }
0x8c: {  	s17 =	sshll.u32 s0, $0xA;
	s2 =	sadd.s32 s3, s2  }
0x8d: {  	s2 =	sadd.s32 s2, s17  }
0x8e: {  	[smem:$0x3FC0] =	sst s2  }
0x8f: {  	_ = 	snop  }
0x90: {  	s2 =	sld [smem:$0x3FC9]  }
0x91: {  	s18 =	sld [smem:$0x3FD0];
	(tm) =	ssettm $0x1  }
0x92: {  	s4 =	sld [smem:$0x3FFB];
	_ =	sdelay $0x3  }
0x93: {  	_ =	strace s4  }
0x94: {  	s4 =	sld [smem:$0x3FFC];
	_ =	sdelay $0x3  }
0x95: {  	_ =	strace s4  }
0x96: {  	s4 =	sld [smem:$0x3FFD];
	_ =	sdelay $0x3  }
0x97: {  	_ =	strace s4  }
0x98: {  	_ =	strace $0x8FFFFFFF  }
0x99: {  	s19 =	sld [smem:$0x3FDB];
	_ =	sdelay $0x1  }
0x9a: {  	s5 =	simm.s32 $_scs_section_size  }
0x9b: {  	s6 =	simm.s32 $_size__tile_overlayer_lowered;
	s7 =	simm.s32 $_tile_overlayer_lowered  }
0x9c: {  	s22 =	simm.s32 $0x1BFF;
	s21 =	sshll.u32 s7, $0x1;
	s4 =	sadd.s32 s5, s19  }
0x9d: {  	s8 =	simm.s32 $0x0;
	s20 =	sshll.u32 s6, $0x1;
	s6 =	sadd.s32 s21, s4  }
0x9e: {  	[timem:s8], [sflag:s22] =	dma.local [hbm:s6], s20  }
0x9f: {  	_ =	swait.ge [sflag:s22], s20  }
0xa0: {  	s5 =	ssub.s32 $0x0, s20;
	[sflag:s22] =	ssyncset.done $0x0  }
0xa1: {  	[sflag:s22] =	ssyncadd.s32 s5;
	_ =	sdelay $0x1  }
0xa2: {  	s23 =	simm.s32 $0x1B8B  }
0xa3: {  	_ =	swait.ge [sflag:s23], $0x1  }
0xa4: {  	[sflag:s23] =	ssyncset.done $0x0  }
0xa5: {  	s25 =	simm.s32 $0x1B8E;
	s24 =	sld [smem:$0x3FFE];
	[sflag:s23] =	ssyncadd.s32 $0xFFFFFFFF  }
0xa6: {  	s26 =	simm.s32 $execute0_lowered;
	[smem:$0x3FD2] =	sst s25  }
0xa7: {  	s6 =	sshll.u32 s26, $0x1;
	_ =	strace $0x80000046;
	[dreg:$0x1] =	wrdreg $0xFFFFFFFF  }
0xa8: {  	s28 =	simm.s32 $_size_execute0_lowered;
	s4 =	sadd.s32 s4, s6;
	[dreg:$0x0] =	wrdreg $0x0  }
0xa9: {  	s6 =	sshll.u32 s28, $0x1;
	[dreg:$0x2] =	wrdreg s4  }
0xaa: {  	[dreg:$0x3] =	wrdreg s6  }
0xab: {  	[dreg:$0x4] =	wrdreg $0xC0  }
0xac: {  	_ =	task [dreg:s8], $0x5FFFF  }
0xad: {  	[dreg:$0x1] =	wrdreg $0xFFFFFFFF  }
0xae: {  	[dreg:$0x0] =	wrdreg $0x60  }
0xaf: {  	[dreg:$0x2] =	wrdreg s2  }
0xb0: {  	[dreg:$0x3] =	wrdreg s18  }
0xb1: {  	[dreg:$0x4] =	wrdreg s24  }
0xb2: {  	[dreg:$0x5] =	wrdreg $0xB4200  }
0xb3: {  	[dreg:$0x6] =	wrdreg $0x9  }
0xb4: {  	_ =	task.clear_ibuf [dreg:s8], $0x7FFFF;
	_ =	strace $0x90000046  }
0xb5: {  	s29 =	simm.s32 $0x9;
	_ =	strace $0x80000048  }
0xb6: {  	_ =	swait.ge [sflag:s29], $0x1  }
0xb7: {  	[sflag:s29] =	ssyncadd.s32 $0xFFFFFFFF  }
0xb8: {  	_ =	strace $0x90000048  }
0xb9: {  	_ =	sfence  }
0xba: {  	s30 =	sld [smem:$0x0];
	_ =	sdelay $0x2  }
0xbb: {  	s31 =	sshll.u32 s1, $0xD;
	s1 =	sshrl.u32 s1, $0x2  }
0xbc: {  	s3 =	sand.u32 $0x4000, s31;
	s1 =	sadd.s32 s1, s30  }
0xbd: {  	s0 =	sor.u32 s3, s0;
	s1 =	sshll.u32 s1, $0x11  }
0xbe: {  	s0 =	sor.u32 s1, s0  }
0xbf: {  	s0 =	sadd.s32 $0x8F2B, s0  }
0xc0: {  	[sflag:s0] =	ssyncadd.remote.s32 $0x1  }
0xc1: {  	_ =	sfence.sel $0xFFFF  }
0xc2: {  	[dreg:$0x0] =	wrdreg $0xFFFFFFFF;
	(pc) =	sbr.abs _section_cstart, $3  }
0xc3: {  	[dreg:$0x1] =	wrdreg $0xFFFFFFFF  }
0xc4: {  	_ =	task.clear_ibuf [dreg:s8], $0x2FFFF;
	_ =	strace $0x9FFFFFFF  }
0xc5: {  	(tm) =	ssettm $0x7FFFFFFF  }
tec
execute0_lowered:
.L_overlay_start_1:
0x0: {  	(tag) =	ssettag $0x1  }
0x1: {  	s1 =	rddreg [dreg:$0x0]  }
0x2: {  	s0 =	rddreg [dreg:$0x1]  }
0x3: {  	s2 =	rddreg [dreg:$0x2]  }
0x4: {  	s3 =	rddreg [dreg:$0x3];
	s4 =	srdreg.scid  }
0x5: {  	s14 =	stileid.u32;
	s28 =	simm.s32 $0x200;
	s29 =	simm.s32 $0x80  }
0x6: {  	s30 =	simm.s32 $0x280;
	s31 =	simm.s32 $0x5;
	s6 =	smul.u32 $0x14000, s14  }
0x7: {  	s5 =	sand.u32 $0x1, s4;
	s4 =	simm.s32 $0x0;
	s12 =	smul.u32 $0x2710, s14  }
0x8: {  	s10 =	sadd.s32 $0x2200, s2;
	s11 =	sadd.s32 $0x9C40, s0;
	s7 =	smul.u32 $0x140000, s5  }
0x9: {  	s8 =	sshll.u32 s5, $0x4;
	[smem:$0x7FF] =	sst s4;
	s22 =	ssub.s32 $0x2, s5  }
0xa: {  	s5 =	smul.u32 $0x27100, s5;
	s8 =	sor.u32 s14, s8;
	_ =	strace $0x80000047  }
0xb: {  	[dreg:$0xc] =	wrdreg s10;
	s23 =	sshrl.u32 s22, $0x1;
	s9 =	smul.u32 $0x500, s8  }
0xc: {  	s7 =	sadd.s32 s6, s7;
	s8 =	smul.u32 $0x2710, s8;
	s6 =	sadd.s32 s6, s3  }
0xd: {  	s5 =	sadd.s32 s12, s5;
	s7 =	sshrl.u32 s7, $0x3;
	[dreg:$0x11] =	wrdreg s6  }
0xe: {  	s18 =	sadd.s32 $0x480, s5;
	s7 =	sadd.s32 s7, s2;
	s2 =	sadd.s32 s9, s2  }
0xf: {  	s8 =	sshrl.u32 s8, $0x3;
	s9 =	ssub.s32 s22, s23;
	s20 =	sshrl.u32 s18, $0x3  }
0x10: {  	s23 =	sadd.s32 $0x400, s5;
	s24 =	sadd.s32 s8, s11;
	s25 =	sadd.s32 s0, s8  }
0x11: {  	s26 =	sadd.s32 $0x10, s8;
	s17 =	sadd.s32 $0x30, s8;
	[dreg:$0xd] =	wrdreg s24  }
0x12: {  	s21 =	sadd.s32 $0x40, s8;
	s22 =	sadd.s32 s20, s0;
	[dreg:$0xe] =	wrdreg s25  }
0x13: {  	s2 =	sadd.s32 $0x4A00, s2;
	s13 =	sadd.s32 s26, s11;
	[dreg:$0x5] =	wrdreg s22  }
0x14: {  	s10 =	sadd.s32 s0, s26;
	s19 =	sadd.s32 s17, s11;
	[dreg:$0x1d] =	wrdreg s2  }
0x15: {  	s6 =	sadd.s32 s0, s17;
	s24 =	sshrl.u32 s23, $0x3;
	[dreg:$0xf] =	wrdreg s13  }
0x16: {  	s26 =	sadd.s32 $0x380, s5;
	s5 =	sadd.s32 $0x300, s5;
	[dreg:$0x10] =	wrdreg s10  }
0x17: {  	s17 =	sadd.s32 s21, s11;
	s22 =	sadd.s32 $0x4E0, s8;
	[dreg:$0x14] =	wrdreg s19  }
0x18: {  	s2 =	simm.s32 $0x9;
	s13 =	sadd.s32 $0x20, s8;
	[dreg:$0x15] =	wrdreg s6  }
0x19: {  	s6 =	sadd.s32 s20, s11;
	s25 =	sadd.s32 s24, s0;
	[dreg:$0x16] =	wrdreg s17  }
0x1a: {  	s12 =	sadd.s32 s24, s11;
	s5 =	sshrl.u32 s5, $0x3;
	[dreg:$0x6] =	wrdreg s6  }
0x1b: {  	s10 =	sadd.s32 s0, s21;
	s19 =	sadd.s32 $0x50, s8;
	[dreg:$0x7] =	wrdreg s25  }
0x1c: {  	s23 =	sadd.s32 s22, s11;
	s24 =	sshll.u32 s14, $0x6;
	[dreg:$0x8] =	wrdreg s12  }
0x1d: {  	s8 =	simm.s32 $0x6;
	s14 =	simm.s32 $0x2;
	[dreg:$0x17] =	wrdreg s10  }
0x1e: {  	s17 =	simm.s32 $0x8;
	s15 =	sadd.s32 s13, s11;
	[dreg:$0x1b] =	wrdreg s23  }
0x1f: {  	s16 =	sadd.s32 s0, s13;
	s13 =	sshrl.u32 s26, $0x3;
	[dreg:$0x1c] =	wrdreg s24  }
0x20: {  	s18 =	sadd.s32 s5, s0;
	s20 =	sadd.s32 s19, s11;
	[dreg:$0x12] =	wrdreg s15  }
0x21: {  	s21 =	sadd.s32 s0, s19;
	s25 =	sadd.s32 $0xEA00, s7;
	[dreg:$0x13] =	wrdreg s16  }
0x22: {  	s26 =	smax.u32 s9, $0x1;
	s6 =	simm.s32 $0x300;
	[dreg:$0xb] =	wrdreg s18  }
0x23: {  	s7 =	simm.s32 $0x1;
	s9 =	simm.s32 $0x4400;
	[dreg:$0x18] =	wrdreg s20  }
0x24: {  	s10 =	simm.s32 $0x8400;
	s12 =	simm.s32 $0x180;
	[dreg:$0x19] =	wrdreg s21  }
0x25: {  	s19 =	simm.s32 $0xA;
	s23 =	simm.s32 $0x10;
	[dreg:$0x1e] =	wrdreg s25  }
0x26: {  	s15 =	sadd.s32 s13, s0;
	s16 =	sadd.s32 s13, s11;
	[dreg:$0x1f] =	wrdreg s26  }
0x27: {  	s0 =	sadd.s32 s0, s22;
	s21 =	sadd.s32 s5, s11;
	[dreg:$0x9] =	wrdreg s15  }
0x28: {  	s5 =	simm.s32 $0x100;
	s11 =	simm.s32 $0x3;
	[dreg:$0xa] =	wrdreg s16  }
0x29: {  	s13 =	simm.s32 $0x380;
	s25 =	simm.s32 $0x0;
	[dreg:$0x1a] =	wrdreg s0  }
0x2a: {  	s0 =	sor.u32 $0x1C09, s24;
	s15 =	simm.s32 $0x7;
	s16 =	simm.s32 $0x4  }
0x2b: {  	v0 =	vimm.f32 $0.0e+00;
	v1 =	vimm.f32 $1.000000000e+00;
	s24 =	simm.s32 $0xAC20;
	[smem:$0x7FD] =	sst s0;
	s0 =	simm.s32 $0x400  }
.LBB2_1:
0x2c: {  	s18 =	rddreg [dreg:$0xd]  }
0x2d: {  	s20 =	rddreg [dreg:$0xe]  }
0x2e: {  	[tilespmem:s4], [sflag:$0x5] =	stream.linear.gather [hbm4b:s18+s4], $0x80, $0x38;
	[tilespmem:$0x1F420] =	vst v63  }
0x2f: {  	s22 =	rddreg [dreg:$0xf]  }
0x30: {  	[tilespmem:s28], [sflag:$0x5] =	stream.linear.gather [hbm4b:s20+s4], $0x80, $0x38;
	[tilespmem:$0x1F420] =	vst v63  }
0x31: {  	s26 =	rddreg [dreg:$0x10]  }
0x32: {  	[tilespmem:s29], [sflag:$0x6] =	stream.linear.gather [hbm4b:s22+s4], $0x80, $0x38;
	[tilespmem:$0x1F420] =	vst v63  }
0x33: {  	s20 =	rddreg [dreg:$0x11]  }
0x34: {  	[tilespmem:s30], [sflag:$0x6] =	stream.linear.gather [hbm4b:s26+s4], $0x80, $0x38;
	[tilespmem:$0x1F420] =	vst v63  }
0x35: {  	s26 =	sshrl.u32 s20, $0x3;
	s20 =	sld [smem:$0x7FD];
	_ =	sdelay $0x1  }
0x36: {  	s22 =	rddreg [dreg:$0xc]  }
0x37: {  	[spmem:s26], [sflag:s20] =	dma.local [hbm:s22], $0x2800  }
0x38: {  	_ =	swait.ge [sflag:s31], $0x80  }
0x39: {  	[sflag:s31] =	ssyncset.done $0x0  }
0x3a: {  	[sflag:s31] =	ssyncadd.s32 $0xFFFFFF80  }
0x3b: {  	_ =	swait.ge [sflag:s31], $0x80  }
0x3c: {  	[sflag:s31] =	ssyncset.done $0x0  }
0x3d: {  	s18 =	simm.s32 $0x0;
	s22 =	simm.s32 $0x40;
	[sflag:s31] =	ssyncadd.s32 $0xFFFFFF80  }
0x3e: {  	[tilespmem:s0], [sflag:$0x1] =	stream.indirect.gather [hbm4b:s1+s29], $0x80, s4, s29, $0xb8;
	[tilespmem:$0x1F420] =	vst v63  }
.LBB2_2:
0x3f: {  	p0 =	sne.s32 s22, $0x9FC0;
	[tilespmem:s18+$0x8400] =	vst v0;
	s18 =	smov.u32 s22;
	s22 =	sadd.s32 $0x40, s22  }
.Ltmp0:
0x40: {  	(pc) =	sbr.rel @p0 .LBB2_2-.Ltmp0, $2  }
0x41: {  	_ =	sdelay $0x2  }
0x42: {  	s18 =	sshra.s32 s18, $0x2  }
0x43: {  	[tilespmem:s18+$0x8400] =	vst v0  }
0x44: {  	_ =	swait.ge [sflag:s2], $0x2800  }
0x45: {  	[sflag:s2] =	ssyncset.done $0x0  }
0x46: {  	[sflag:s2] =	ssyncadd.s32 $0xFFFFD800  }
0x47: {  	[bflag:$0x0] =	sbarrier.arrive $0xFFFF  }
0x48: {  	s22 =	simm.s32 $0x0;
	s20 =	rddreg [dreg:$0x12]  }
0x49: {  	[tilespmem:s5], [sflag:$0x7] =	stream.linear.gather [hbm4b:s20+s22], $0x80, $0x38;
	[tilespmem:$0x1F420] =	vst v63  }
0x4a: {  	s20 =	rddreg [dreg:$0x13]  }
0x4b: {  	[tilespmem:s6], [sflag:$0x7] =	stream.linear.gather [hbm4b:s20+s22], $0x80, $0x38;
	[tilespmem:$0x1F420] =	vst v63  }
0x4c: {  	_ =	swait.ge [sflag:s7], $0x4000  }
0x4d: {  	[sflag:s7] =	ssyncset.done $0x0  }
0x4e: {  	[sflag:s7] =	ssyncadd.s32 $0xFFFFC000  }
0x4f: {  	_ =	swait.ge [sflag:s8], $0x80  }
0x50: {  	[sflag:s8] =	ssyncset.done $0x0  }
0x51: {  	[sflag:s8] =	ssyncadd.s32 $0xFFFFFF80  }
0x52: {  	_ =	swait.ge [sflag:s8], $0x80  }
0x53: {  	[sflag:s8] =	ssyncset.done $0x0  }
0x54: {  	[sflag:s8] =	ssyncadd.s32 $0xFFFFFF80  }
0x55: {  	[tilespmem:s9], [sflag:$0x2] =	stream.indirect.gather [hbm4b:s1+s29], $0x80, s29, s29, $0xb8;
	[tilespmem:$0x1F420] =	vst v63  }
0x56: {  	_ = 	snop  }
0x57: {  	[spmem:s3] =	stream.indirect.scatter.add.f32 [tilespmem:s0], [sflag:$0x3], $0x80, s28, s29, $0xb8;
	[tilespmem:$0x1F420] =	vst v63  }
0x58: {  	v2 =	vld [tilespmem:$0x200];
	_ =	sdelay $0x7  }
0x59: {  	[tilespmem:v2+s10+$0x0] =	vst.idx.add.f32.msk $0xffff, v1  }
0x5a: {  	v2 =	vld [tilespmem:$0x210];
	_ =	sdelay $0x7  }
0x5b: {  	[tilespmem:v2+s10+$0x0] =	vst.idx.add.f32.msk $0xffff, v1  }
0x5c: {  	v2 =	vld [tilespmem:$0x220];
	_ =	sdelay $0x7  }
0x5d: {  	[tilespmem:v2+s10+$0x0] =	vst.idx.add.f32.msk $0xffff, v1  }
0x5e: {  	v2 =	vld [tilespmem:$0x230];
	_ =	sdelay $0x7  }
0x5f: {  	[tilespmem:v2+s10+$0x0] =	vst.idx.add.f32.msk $0xffff, v1  }
0x60: {  	v2 =	vld [tilespmem:$0x240];
	_ =	sdelay $0x7  }
0x61: {  	[tilespmem:v2+s10+$0x0] =	vst.idx.add.f32.msk $0xffff, v1  }
0x62: {  	v2 =	vld [tilespmem:$0x250];
	_ =	sdelay $0x7  }
0x63: {  	[tilespmem:v2+s10+$0x0] =	vst.idx.add.f32.msk $0xffff, v1  }
0x64: {  	v2 =	vld [tilespmem:$0x260];
	_ =	sdelay $0x7  }
0x65: {  	[tilespmem:v2+s10+$0x0] =	vst.idx.add.f32.msk $0xffff, v1  }
0x66: {  	v2 =	vld [tilespmem:$0x270];
	_ =	sdelay $0x7  }
0x67: {  	[tilespmem:v2+s10+$0x0] =	vst.idx.add.f32.msk $0xffff, v1  }
0x68: {  	_ =	swait.ge [sflag:s11], $0x4000  }
0x69: {  	[sflag:s11] =	ssyncset.done $0x0  }
0x6a: {  	s20 =	rddreg [dreg:$0x14];
	[sflag:s11] =	ssyncadd.s32 $0xFFFFC000  }
0x6b: {  	[tilespmem:s12], [sflag:$0x8] =	stream.linear.gather [hbm4b:s20+s22], $0x80, $0x38;
	[tilespmem:$0x1F420] =	vst v63  }
0x6c: {  	s20 =	rddreg [dreg:$0x15]  }
0x6d: {  	[tilespmem:s13], [sflag:$0x8] =	stream.linear.gather [hbm4b:s20+s22], $0x80, $0x38;
	[tilespmem:$0x1F420] =	vst v63  }
0x6e: {  	_ =	swait.ge [sflag:s14], $0x4000  }
0x6f: {  	[sflag:s14] =	ssyncset.done $0x0  }
0x70: {  	[sflag:s14] =	ssyncadd.s32 $0xFFFFC000  }
0x71: {  	_ =	swait.ge [sflag:s15], $0x80  }
0x72: {  	[sflag:s15] =	ssyncset.done $0x0  }
0x73: {  	[sflag:s15] =	ssyncadd.s32 $0xFFFFFF80  }
0x74: {  	_ =	swait.ge [sflag:s15], $0x80  }
0x75: {  	[sflag:s15] =	ssyncset.done $0x0  }
0x76: {  	[sflag:s15] =	ssyncadd.s32 $0xFFFFFF80  }
0x77: {  	[tilespmem:s0], [sflag:$0x1] =	stream.indirect.gather [hbm4b:s1+s29], $0x80, s5, s29, $0xb8;
	[tilespmem:$0x1F420] =	vst v63  }
0x78: {  	_ = 	snop  }
0x79: {  	[spmem:s3] =	stream.indirect.scatter.add.f32 [tilespmem:s9], [sflag:$0x4], $0x80, s30, s29, $0xb8;
	[tilespmem:$0x1F420] =	vst v63  }
0x7a: {  	v2 =	vld [tilespmem:$0x280];
	_ =	sdelay $0x7  }
0x7b: {  	[tilespmem:v2+s10+$0x0] =	vst.idx.add.f32.msk $0xffff, v1  }
0x7c: {  	v2 =	vld [tilespmem:$0x290];
	_ =	sdelay $0x7  }
0x7d: {  	[tilespmem:v2+s10+$0x0] =	vst.idx.add.f32.msk $0xffff, v1  }
0x7e: {  	v2 =	vld [tilespmem:$0x2A0];
	_ =	sdelay $0x7  }
0x7f: {  	[tilespmem:v2+s10+$0x0] =	vst.idx.add.f32.msk $0xffff, v1  }
0x80: {  	v2 =	vld [tilespmem:$0x2B0];
	_ =	sdelay $0x7  }
0x81: {  	[tilespmem:v2+s10+$0x0] =	vst.idx.add.f32.msk $0xffff, v1  }
0x82: {  	v2 =	vld [tilespmem:$0x2C0];
	_ =	sdelay $0x7  }
0x83: {  	[tilespmem:v2+s10+$0x0] =	vst.idx.add.f32.msk $0xffff, v1  }
0x84: {  	v2 =	vld [tilespmem:$0x2D0];
	_ =	sdelay $0x7  }
0x85: {  	[tilespmem:v2+s10+$0x0] =	vst.idx.add.f32.msk $0xffff, v1  }
0x86: {  	v2 =	vld [tilespmem:$0x2E0];
	_ =	sdelay $0x7  }
0x87: {  	[tilespmem:v2+s10+$0x0] =	vst.idx.add.f32.msk $0xffff, v1  }
0x88: {  	v2 =	vld [tilespmem:$0x2F0];
	_ =	sdelay $0x7  }
0x89: {  	[tilespmem:v2+s10+$0x0] =	vst.idx.add.f32.msk $0xffff, v1  }
0x8a: {  	_ =	swait.ge [sflag:s16], $0x4000  }
0x8b: {  	[sflag:s16] =	ssyncset.done $0x0  }
0x8c: {  	s20 =	rddreg [dreg:$0x16];
	[sflag:s16] =	ssyncadd.s32 $0xFFFFC000  }
0x8d: {  	[tilespmem:s22], [sflag:$0x5] =	stream.linear.gather [hbm4b:s20+s22], $0x80, $0x38;
	[tilespmem:$0x1F420] =	vst v63  }
0x8e: {  	s20 =	rddreg [dreg:$0x17]  }
0x8f: {  	[tilespmem:s28], [sflag:$0x5] =	stream.linear.gather [hbm4b:s20+s22], $0x80, $0x38;
	[tilespmem:$0x1F420] =	vst v63  }
0x90: {  	_ =	swait.ge [sflag:s7], $0x4000  }
0x91: {  	[sflag:s7] =	ssyncset.done $0x0  }
0x92: {  	[sflag:s7] =	ssyncadd.s32 $0xFFFFC000  }
0x93: {  	_ =	swait.ge [sflag:s17], $0x80  }
0x94: {  	[sflag:s17] =	ssyncset.done $0x0  }
0x95: {  	[sflag:s17] =	ssyncadd.s32 $0xFFFFFF80  }
0x96: {  	_ =	swait.ge [sflag:s17], $0x80  }
0x97: {  	[sflag:s17] =	ssyncset.done $0x0  }
0x98: {  	[sflag:s17] =	ssyncadd.s32 $0xFFFFFF80  }
0x99: {  	[tilespmem:s9], [sflag:$0x2] =	stream.indirect.gather [hbm4b:s1+s29], $0x80, s12, s29, $0xb8;
	[tilespmem:$0x1F420] =	vst v63  }
0x9a: {  	_ = 	snop  }
0x9b: {  	[spmem:s3] =	stream.indirect.scatter.add.f32 [tilespmem:s0], [sflag:$0x3], $0x80, s6, s29, $0xb8;
	[tilespmem:$0x1F420] =	vst v63  }
0x9c: {  	v2 =	vld [tilespmem:$0x300];
	_ =	sdelay $0x7  }
0x9d: {  	[tilespmem:v2+s10+$0x0] =	vst.idx.add.f32.msk $0xffff, v1  }
0x9e: {  	v2 =	vld [tilespmem:$0x310];
	_ =	sdelay $0x7  }
0x9f: {  	[tilespmem:v2+s10+$0x0] =	vst.idx.add.f32.msk $0xffff, v1  }
0xa0: {  	v2 =	vld [tilespmem:$0x320];
	_ =	sdelay $0x7  }
0xa1: {  	[tilespmem:v2+s10+$0x0] =	vst.idx.add.f32.msk $0xffff, v1  }
0xa2: {  	v2 =	vld [tilespmem:$0x330];
	_ =	sdelay $0x7  }
0xa3: {  	[tilespmem:v2+s10+$0x0] =	vst.idx.add.f32.msk $0xffff, v1  }
0xa4: {  	v2 =	vld [tilespmem:$0x340];
	_ =	sdelay $0x7  }
0xa5: {  	[tilespmem:v2+s10+$0x0] =	vst.idx.add.f32.msk $0xffff, v1  }
0xa6: {  	v2 =	vld [tilespmem:$0x350];
	_ =	sdelay $0x7  }
0xa7: {  	[tilespmem:v2+s10+$0x0] =	vst.idx.add.f32.msk $0xffff, v1  }
0xa8: {  	v2 =	vld [tilespmem:$0x360];
	_ =	sdelay $0x7  }
0xa9: {  	[tilespmem:v2+s10+$0x0] =	vst.idx.add.f32.msk $0xffff, v1  }
0xaa: {  	v2 =	vld [tilespmem:$0x370];
	_ =	sdelay $0x7  }
0xab: {  	[tilespmem:v2+s10+$0x0] =	vst.idx.add.f32.msk $0xffff, v1  }
0xac: {  	_ =	swait.ge [sflag:s11], $0x4000  }
0xad: {  	[sflag:s11] =	ssyncset.done $0x0  }
0xae: {  	s20 =	rddreg [dreg:$0x18];
	[sflag:s11] =	ssyncadd.s32 $0xFFFFC000  }
0xaf: {  	[tilespmem:s29], [sflag:$0x6] =	stream.linear.gather [hbm4b:s20+s22], $0x80, $0x38;
	[tilespmem:$0x1F420] =	vst v63  }
0xb0: {  	s20 =	rddreg [dreg:$0x19]  }
0xb1: {  	[tilespmem:s30], [sflag:$0x6] =	stream.linear.gather [hbm4b:s20+s22], $0x80, $0x38;
	[tilespmem:$0x1F420] =	vst v63  }
0xb2: {  	_ =	swait.ge [sflag:s14], $0x4000  }
0xb3: {  	[sflag:s14] =	ssyncset.done $0x0  }
0xb4: {  	[sflag:s14] =	ssyncadd.s32 $0xFFFFC000  }
0xb5: {  	_ =	swait.ge [sflag:s31], $0x80  }
0xb6: {  	[sflag:s31] =	ssyncset.done $0x0  }
0xb7: {  	[sflag:s31] =	ssyncadd.s32 $0xFFFFFF80  }
0xb8: {  	_ =	swait.ge [sflag:s31], $0x80  }
0xb9: {  	[sflag:s31] =	ssyncset.done $0x0  }
0xba: {  	[sflag:s31] =	ssyncadd.s32 $0xFFFFFF80  }
0xbb: {  	[tilespmem:s0], [sflag:$0x1] =	stream.indirect.gather [hbm4b:s1+s29], $0x80, s22, s29, $0xb8;
	[tilespmem:$0x1F420] =	vst v63  }
0xbc: {  	_ = 	snop  }
0xbd: {  	[spmem:s3] =	stream.indirect.scatter.add.f32 [tilespmem:s9], [sflag:$0x4], $0x80, s13, s29, $0xb8;
	[tilespmem:$0x1F420] =	vst v63  }
0xbe: {  	v2 =	vld [tilespmem:$0x380];
	_ =	sdelay $0x7  }
0xbf: {  	[tilespmem:v2+s10+$0x0] =	vst.idx.add.f32.msk $0xffff, v1  }
0xc0: {  	v2 =	vld [tilespmem:$0x390];
	_ =	sdelay $0x7  }
0xc1: {  	[tilespmem:v2+s10+$0x0] =	vst.idx.add.f32.msk $0xffff, v1  }
0xc2: {  	v2 =	vld [tilespmem:$0x3A0];
	_ =	sdelay $0x7  }
0xc3: {  	[tilespmem:v2+s10+$0x0] =	vst.idx.add.f32.msk $0xffff, v1  }
0xc4: {  	v2 =	vld [tilespmem:$0x3B0];
	_ =	sdelay $0x7  }
0xc5: {  	[tilespmem:v2+s10+$0x0] =	vst.idx.add.f32.msk $0xffff, v1  }
0xc6: {  	v2 =	vld [tilespmem:$0x3C0];
	_ =	sdelay $0x7  }
0xc7: {  	[tilespmem:v2+s10+$0x0] =	vst.idx.add.f32.msk $0xffff, v1  }
0xc8: {  	v2 =	vld [tilespmem:$0x3D0];
	_ =	sdelay $0x7  }
0xc9: {  	[tilespmem:v2+s10+$0x0] =	vst.idx.add.f32.msk $0xffff, v1  }
0xca: {  	v2 =	vld [tilespmem:$0x3E0];
	_ =	sdelay $0x7  }
0xcb: {  	[tilespmem:v2+s10+$0x0] =	vst.idx.add.f32.msk $0xffff, v1  }
0xcc: {  	v2 =	vld [tilespmem:$0x3F0];
	_ =	sdelay $0x7  }
0xcd: {  	[tilespmem:v2+s10+$0x0] =	vst.idx.add.f32.msk $0xffff, v1  }
0xce: {  	_ =	swait.ge [sflag:s16], $0x4000  }
0xcf: {  	[sflag:s16] =	ssyncset.done $0x0  }
0xd0: {  	[sflag:s16] =	ssyncadd.s32 $0xFFFFC000  }
.LBB2_4:
0xd1: {  	s18 =	rddreg [dreg:$0xb];
	s20 =	sadd.s32 s22, s21  }
0xd2: {  	[tilespmem:s5], [sflag:$0x7] =	stream.linear.gather [hbm4b:s20+s4], $0x80, $0x38;
	[tilespmem:$0x1F420] =	vst v63  }
0xd3: {  	s18 =	sadd.s32 s22, s18  }
0xd4: {  	[tilespmem:s6], [sflag:$0x7] =	stream.linear.gather [hbm4b:s18+s4], $0x80, $0x38;
	[tilespmem:$0x1F420] =	vst v63  }
0xd5: {  	_ =	swait.ge [sflag:s7], $0x4000  }
0xd6: {  	[sflag:s7] =	ssyncset.done $0x0  }
0xd7: {  	[sflag:s7] =	ssyncadd.s32 $0xFFFFC000  }
0xd8: {  	_ =	swait.ge [sflag:s8], $0x80  }
0xd9: {  	[sflag:s8] =	ssyncset.done $0x0  }
0xda: {  	[sflag:s8] =	ssyncadd.s32 $0xFFFFFF80  }
0xdb: {  	_ =	swait.ge [sflag:s8], $0x80  }
0xdc: {  	[sflag:s8] =	ssyncset.done $0x0  }
0xdd: {  	[sflag:s8] =	ssyncadd.s32 $0xFFFFFF80  }
0xde: {  	[tilespmem:s9], [sflag:$0x2] =	stream.indirect.gather [hbm4b:s1+s29], $0x80, s29, s29, $0xb8;
	[tilespmem:$0x1F420] =	vst v63  }
0xdf: {  	_ = 	snop  }
0xe0: {  	[spmem:s3] =	stream.indirect.scatter.add.f32 [tilespmem:s0], [sflag:$0x3], $0x80, s28, s29, $0xb8;
	[tilespmem:$0x1F420] =	vst v63  }
0xe1: {  	v2 =	vld [tilespmem:$0x200];
	_ =	sdelay $0x7  }
0xe2: {  	[tilespmem:v2+s10+$0x0] =	vst.idx.add.f32.msk $0xffff, v1  }
0xe3: {  	v2 =	vld [tilespmem:$0x210];
	_ =	sdelay $0x7  }
0xe4: {  	[tilespmem:v2+s10+$0x0] =	vst.idx.add.f32.msk $0xffff, v1  }
0xe5: {  	v2 =	vld [tilespmem:$0x220];
	_ =	sdelay $0x7  }
0xe6: {  	[tilespmem:v2+s10+$0x0] =	vst.idx.add.f32.msk $0xffff, v1  }
0xe7: {  	v2 =	vld [tilespmem:$0x230];
	_ =	sdelay $0x7  }
0xe8: {  	[tilespmem:v2+s10+$0x0] =	vst.idx.add.f32.msk $0xffff, v1  }
0xe9: {  	v2 =	vld [tilespmem:$0x240];
	_ =	sdelay $0x7  }
0xea: {  	[tilespmem:v2+s10+$0x0] =	vst.idx.add.f32.msk $0xffff, v1  }
0xeb: {  	v2 =	vld [tilespmem:$0x250];
	_ =	sdelay $0x7  }
0xec: {  	[tilespmem:v2+s10+$0x0] =	vst.idx.add.f32.msk $0xffff, v1  }
0xed: {  	v2 =	vld [tilespmem:$0x260];
	_ =	sdelay $0x7  }
0xee: {  	[tilespmem:v2+s10+$0x0] =	vst.idx.add.f32.msk $0xffff, v1  }
0xef: {  	v2 =	vld [tilespmem:$0x270];
	_ =	sdelay $0x7  }
0xf0: {  	[tilespmem:v2+s10+$0x0] =	vst.idx.add.f32.msk $0xffff, v1  }
0xf1: {  	_ =	swait.ge [sflag:s11], $0x4000  }
0xf2: {  	s18 =	rddreg [dreg:$0xa];
	[sflag:s11] =	ssyncset.done $0x0  }
0xf3: {  	s20 =	rddreg [dreg:$0x9];
	[sflag:s11] =	ssyncadd.s32 $0xFFFFC000;
	s18 =	sadd.s32 s22, s18  }
0xf4: {  	[tilespmem:s12], [sflag:$0x8] =	stream.linear.gather [hbm4b:s18+s4], $0x80, $0x38;
	[tilespmem:$0x1F420] =	vst v63  }
0xf5: {  	s20 =	sadd.s32 s22, s20  }
0xf6: {  	[tilespmem:s13], [sflag:$0x8] =	stream.linear.gather [hbm4b:s20+s4], $0x80, $0x38;
	[tilespmem:$0x1F420] =	vst v63  }
0xf7: {  	_ =	swait.ge [sflag:s14], $0x4000  }
0xf8: {  	[sflag:s14] =	ssyncset.done $0x0  }
0xf9: {  	[sflag:s14] =	ssyncadd.s32 $0xFFFFC000  }
0xfa: {  	_ =	swait.ge [sflag:s15], $0x80  }
0xfb: {  	[sflag:s15] =	ssyncset.done $0x0  }
0xfc: {  	[sflag:s15] =	ssyncadd.s32 $0xFFFFFF80  }
0xfd: {  	_ =	swait.ge [sflag:s15], $0x80  }
0xfe: {  	[sflag:s15] =	ssyncset.done $0x0  }
0xff: {  	[sflag:s15] =	ssyncadd.s32 $0xFFFFFF80  }
0x100: {  	[tilespmem:s0], [sflag:$0x1] =	stream.indirect.gather [hbm4b:s1+s29], $0x80, s5, s29, $0xb8;
	[tilespmem:$0x1F420] =	vst v63  }
0x101: {  	_ = 	snop  }
0x102: {  	[spmem:s3] =	stream.indirect.scatter.add.f32 [tilespmem:s9], [sflag:$0x4], $0x80, s30, s29, $0xb8;
	[tilespmem:$0x1F420] =	vst v63  }
0x103: {  	v2 =	vld [tilespmem:$0x280];
	_ =	sdelay $0x7  }
0x104: {  	[tilespmem:v2+s10+$0x0] =	vst.idx.add.f32.msk $0xffff, v1  }
0x105: {  	v2 =	vld [tilespmem:$0x290];
	_ =	sdelay $0x7  }
0x106: {  	[tilespmem:v2+s10+$0x0] =	vst.idx.add.f32.msk $0xffff, v1  }
0x107: {  	v2 =	vld [tilespmem:$0x2A0];
	_ =	sdelay $0x7  }
0x108: {  	[tilespmem:v2+s10+$0x0] =	vst.idx.add.f32.msk $0xffff, v1  }
0x109: {  	v2 =	vld [tilespmem:$0x2B0];
	_ =	sdelay $0x7  }
0x10a: {  	[tilespmem:v2+s10+$0x0] =	vst.idx.add.f32.msk $0xffff, v1  }
0x10b: {  	v2 =	vld [tilespmem:$0x2C0];
	_ =	sdelay $0x7  }
0x10c: {  	[tilespmem:v2+s10+$0x0] =	vst.idx.add.f32.msk $0xffff, v1  }
0x10d: {  	v2 =	vld [tilespmem:$0x2D0];
	_ =	sdelay $0x7  }
0x10e: {  	[tilespmem:v2+s10+$0x0] =	vst.idx.add.f32.msk $0xffff, v1  }
0x10f: {  	v2 =	vld [tilespmem:$0x2E0];
	_ =	sdelay $0x7  }
0x110: {  	[tilespmem:v2+s10+$0x0] =	vst.idx.add.f32.msk $0xffff, v1  }
0x111: {  	v2 =	vld [tilespmem:$0x2F0];
	_ =	sdelay $0x7  }
0x112: {  	[tilespmem:v2+s10+$0x0] =	vst.idx.add.f32.msk $0xffff, v1  }
0x113: {  	_ =	swait.ge [sflag:s16], $0x4000  }
0x114: {  	s18 =	rddreg [dreg:$0x8];
	[sflag:s16] =	ssyncset.done $0x0  }
0x115: {  	s20 =	rddreg [dreg:$0x7];
	[sflag:s16] =	ssyncadd.s32 $0xFFFFC000;
	s18 =	sadd.s32 s22, s18  }
0x116: {  	[tilespmem:s4], [sflag:$0x5] =	stream.linear.gather [hbm4b:s18+s4], $0x80, $0x38;
	[tilespmem:$0x1F420] =	vst v63  }
0x117: {  	s20 =	sadd.s32 s22, s20  }
0x118: {  	[tilespmem:s28], [sflag:$0x5] =	stream.linear.gather [hbm4b:s20+s4], $0x80, $0x38;
	[tilespmem:$0x1F420] =	vst v63  }
0x119: {  	_ =	swait.ge [sflag:s7], $0x4000  }
0x11a: {  	[sflag:s7] =	ssyncset.done $0x0  }
0x11b: {  	[sflag:s7] =	ssyncadd.s32 $0xFFFFC000  }
0x11c: {  	_ =	swait.ge [sflag:s17], $0x80  }
0x11d: {  	[sflag:s17] =	ssyncset.done $0x0  }
0x11e: {  	[sflag:s17] =	ssyncadd.s32 $0xFFFFFF80  }
0x11f: {  	_ =	swait.ge [sflag:s17], $0x80  }
0x120: {  	[sflag:s17] =	ssyncset.done $0x0  }
0x121: {  	[sflag:s17] =	ssyncadd.s32 $0xFFFFFF80  }
0x122: {  	[tilespmem:s9], [sflag:$0x2] =	stream.indirect.gather [hbm4b:s1+s29], $0x80, s12, s29, $0xb8;
	[tilespmem:$0x1F420] =	vst v63  }
0x123: {  	_ = 	snop  }
0x124: {  	[spmem:s3] =	stream.indirect.scatter.add.f32 [tilespmem:s0], [sflag:$0x3], $0x80, s6, s29, $0xb8;
	[tilespmem:$0x1F420] =	vst v63  }
0x125: {  	v2 =	vld [tilespmem:$0x300];
	_ =	sdelay $0x7  }
0x126: {  	[tilespmem:v2+s10+$0x0] =	vst.idx.add.f32.msk $0xffff, v1  }
0x127: {  	v2 =	vld [tilespmem:$0x310];
	_ =	sdelay $0x7  }
0x128: {  	[tilespmem:v2+s10+$0x0] =	vst.idx.add.f32.msk $0xffff, v1  }
0x129: {  	v2 =	vld [tilespmem:$0x320];
	_ =	sdelay $0x7  }
0x12a: {  	[tilespmem:v2+s10+$0x0] =	vst.idx.add.f32.msk $0xffff, v1  }
0x12b: {  	v2 =	vld [tilespmem:$0x330];
	_ =	sdelay $0x7  }
0x12c: {  	[tilespmem:v2+s10+$0x0] =	vst.idx.add.f32.msk $0xffff, v1  }
0x12d: {  	v2 =	vld [tilespmem:$0x340];
	_ =	sdelay $0x7  }
0x12e: {  	[tilespmem:v2+s10+$0x0] =	vst.idx.add.f32.msk $0xffff, v1  }
0x12f: {  	v2 =	vld [tilespmem:$0x350];
	_ =	sdelay $0x7  }
0x130: {  	[tilespmem:v2+s10+$0x0] =	vst.idx.add.f32.msk $0xffff, v1  }
0x131: {  	v2 =	vld [tilespmem:$0x360];
	_ =	sdelay $0x7  }
0x132: {  	[tilespmem:v2+s10+$0x0] =	vst.idx.add.f32.msk $0xffff, v1  }
0x133: {  	v2 =	vld [tilespmem:$0x370];
	_ =	sdelay $0x7  }
0x134: {  	[tilespmem:v2+s10+$0x0] =	vst.idx.add.f32.msk $0xffff, v1  }
0x135: {  	_ =	swait.ge [sflag:s11], $0x4000  }
0x136: {  	s18 =	rddreg [dreg:$0x6];
	[sflag:s11] =	ssyncset.done $0x0  }
0x137: {  	s20 =	rddreg [dreg:$0x5];
	[sflag:s11] =	ssyncadd.s32 $0xFFFFC000;
	s18 =	sadd.s32 s22, s18  }
0x138: {  	[tilespmem:s29], [sflag:$0x6] =	stream.linear.gather [hbm4b:s18+s4], $0x80, $0x38;
	[tilespmem:$0x1F420] =	vst v63  }
0x139: {  	s20 =	sadd.s32 s22, s20  }
0x13a: {  	[tilespmem:s30], [sflag:$0x6] =	stream.linear.gather [hbm4b:s20+s4], $0x80, $0x38;
	[tilespmem:$0x1F420] =	vst v63  }
0x13b: {  	_ =	swait.ge [sflag:s14], $0x4000  }
0x13c: {  	[sflag:s14] =	ssyncset.done $0x0  }
0x13d: {  	[sflag:s14] =	ssyncadd.s32 $0xFFFFC000  }
0x13e: {  	_ =	swait.ge [sflag:s31], $0x80  }
0x13f: {  	[sflag:s31] =	ssyncset.done $0x0  }
0x140: {  	[sflag:s31] =	ssyncadd.s32 $0xFFFFFF80  }
0x141: {  	_ =	swait.ge [sflag:s31], $0x80  }
0x142: {  	[sflag:s31] =	ssyncset.done $0x0  }
0x143: {  	[sflag:s31] =	ssyncadd.s32 $0xFFFFFF80  }
0x144: {  	[tilespmem:s0], [sflag:$0x1] =	stream.indirect.gather [hbm4b:s1+s29], $0x80, s4, s29, $0xb8;
	[tilespmem:$0x1F420] =	vst v63  }
0x145: {  	_ = 	snop  }
0x146: {  	[spmem:s3] =	stream.indirect.scatter.add.f32 [tilespmem:s9], [sflag:$0x4], $0x80, s13, s29, $0xb8;
	[tilespmem:$0x1F420] =	vst v63  }
0x147: {  	v2 =	vld [tilespmem:$0x380];
	_ =	sdelay $0x7  }
0x148: {  	[tilespmem:v2+s10+$0x0] =	vst.idx.add.f32.msk $0xffff, v1  }
0x149: {  	v2 =	vld [tilespmem:$0x390];
	_ =	sdelay $0x7  }
0x14a: {  	[tilespmem:v2+s10+$0x0] =	vst.idx.add.f32.msk $0xffff, v1  }
0x14b: {  	v2 =	vld [tilespmem:$0x3A0];
	_ =	sdelay $0x7  }
0x14c: {  	[tilespmem:v2+s10+$0x0] =	vst.idx.add.f32.msk $0xffff, v1  }
0x14d: {  	v2 =	vld [tilespmem:$0x3B0];
	_ =	sdelay $0x7  }
0x14e: {  	[tilespmem:v2+s10+$0x0] =	vst.idx.add.f32.msk $0xffff, v1  }
0x14f: {  	v2 =	vld [tilespmem:$0x3C0];
	_ =	sdelay $0x7  }
0x150: {  	[tilespmem:v2+s10+$0x0] =	vst.idx.add.f32.msk $0xffff, v1  }
0x151: {  	v2 =	vld [tilespmem:$0x3D0];
	_ =	sdelay $0x7  }
0x152: {  	[tilespmem:v2+s10+$0x0] =	vst.idx.add.f32.msk $0xffff, v1  }
0x153: {  	v2 =	vld [tilespmem:$0x3E0];
	_ =	sdelay $0x7  }
0x154: {  	[tilespmem:v2+s10+$0x0] =	vst.idx.add.f32.msk $0xffff, v1  }
0x155: {  	v2 =	vld [tilespmem:$0x3F0];
	_ =	sdelay $0x5  }
0x156: {  	p0 =	sne.s32 s22, $0x440  }
.Ltmp1:
0x157: {  	_ = 	snop;
	(pc) =	sbr.rel @p0 .LBB2_4-.Ltmp1, $4  }
0x158: {  	[tilespmem:v2+s10+$0x0] =	vst.idx.add.f32.msk $0xffff, v1  }
0x159: {  	_ =	swait.ge [sflag:s16], $0x4000  }
0x15a: {  	[sflag:s16] =	ssyncset.done $0x0  }
0x15b: {  	s22 =	sadd.s32 $0x40, s22;
	[sflag:s16] =	ssyncadd.s32 $0xFFFFC000  }
0x15c: {  	_ =	swait.ge [sflag:s7], $0x4000  }
0x15d: {  	[sflag:s7] =	ssyncset.done $0x0  }
0x15e: {  	[sflag:s7] =	ssyncadd.s32 $0xFFFFC000  }
0x15f: {  	_ =	swait.ge [sflag:s8], $0x80  }
0x160: {  	[sflag:s8] =	ssyncset.done $0x0  }
0x161: {  	[sflag:s8] =	ssyncadd.s32 $0xFFFFFF80  }
0x162: {  	_ =	swait.ge [sflag:s8], $0x80  }
0x163: {  	[sflag:s8] =	ssyncset.done $0x0  }
0x164: {  	[sflag:s8] =	ssyncadd.s32 $0xFFFFFF80  }
0x165: {  	[tilespmem:s9], [sflag:$0x2] =	stream.indirect.gather [hbm4b:s1+s29], $0x80, s29, s29, $0xb8;
	[tilespmem:$0x1F420] =	vst v63  }
0x166: {  	_ = 	snop  }
0x167: {  	[spmem:s3] =	stream.indirect.scatter.add.f32 [tilespmem:s0], [sflag:$0x3], $0x80, s28, s29, $0xb8;
	[tilespmem:$0x1F420] =	vst v63  }
0x168: {  	v2 =	vld [tilespmem:$0x200];
	_ =	sdelay $0x7  }
0x169: {  	[tilespmem:v2+s10+$0x0] =	vst.idx.add.f32.msk $0xffff, v1  }
0x16a: {  	v2 =	vld [tilespmem:$0x210];
	_ =	sdelay $0x7  }
0x16b: {  	[tilespmem:v2+s10+$0x0] =	vst.idx.add.f32.msk $0xffff, v1  }
0x16c: {  	v2 =	vld [tilespmem:$0x220];
	_ =	sdelay $0x7  }
0x16d: {  	[tilespmem:v2+s10+$0x0] =	vst.idx.add.f32.msk $0xffff, v1  }
0x16e: {  	v2 =	vld [tilespmem:$0x230];
	_ =	sdelay $0x7  }
0x16f: {  	[tilespmem:v2+s10+$0x0] =	vst.idx.add.f32.msk $0xffff, v1  }
0x170: {  	v2 =	vld [tilespmem:$0x240];
	_ =	sdelay $0x7  }
0x171: {  	[tilespmem:v2+s10+$0x0] =	vst.idx.add.f32.msk $0xffff, v1  }
0x172: {  	v2 =	vld [tilespmem:$0x250];
	_ =	sdelay $0x7  }
0x173: {  	[tilespmem:v2+s10+$0x0] =	vst.idx.add.f32.msk $0xffff, v1  }
0x174: {  	v2 =	vld [tilespmem:$0x260];
	_ =	sdelay $0x7  }
0x175: {  	[tilespmem:v2+s10+$0x0] =	vst.idx.add.f32.msk $0xffff, v1  }
0x176: {  	v2 =	vld [tilespmem:$0x270];
	_ =	sdelay $0x7  }
0x177: {  	[tilespmem:v2+s10+$0x0] =	vst.idx.add.f32.msk $0xffff, v1  }
0x178: {  	_ =	swait.ge [sflag:s11], $0x4000  }
0x179: {  	[sflag:s11] =	ssyncset.done $0x0  }
0x17a: {  	[sflag:s11] =	ssyncadd.s32 $0xFFFFC000  }
0x17b: {  	_ =	swait.ge [sflag:s14], $0x4000  }
0x17c: {  	[sflag:s14] =	ssyncset.done $0x0  }
0x17d: {  	[sflag:s14] =	ssyncadd.s32 $0xFFFFC000  }
0x17e: {  	[spmem:s3] =	stream.indirect.scatter.add.f32 [tilespmem:s9], [sflag:$0x4], $0x80, s30, s29, $0xb8;
	[tilespmem:$0x1F420] =	vst v63  }
0x17f: {  	v2 =	vld [tilespmem:$0x280];
	_ =	sdelay $0x7  }
0x180: {  	[tilespmem:v2+s10+$0x0] =	vst.idx.add.f32.msk $0xffff, v1  }
0x181: {  	v2 =	vld [tilespmem:$0x290];
	_ =	sdelay $0x7  }
0x182: {  	[tilespmem:v2+s10+$0x0] =	vst.idx.add.f32.msk $0xffff, v1  }
0x183: {  	v2 =	vld [tilespmem:$0x2A0];
	_ =	sdelay $0x7  }
0x184: {  	[tilespmem:v2+s10+$0x0] =	vst.idx.add.f32.msk $0xffff, v1  }
0x185: {  	v2 =	vld [tilespmem:$0x2B0];
	_ =	sdelay $0x7  }
0x186: {  	[tilespmem:v2+s10+$0x0] =	vst.idx.add.f32.msk $0xffff, v1  }
0x187: {  	v2 =	vld [tilespmem:$0x2C0];
	_ =	sdelay $0x7  }
0x188: {  	[tilespmem:v2+s10+$0x0] =	vst.idx.add.f32.msk $0xffff, v1  }
0x189: {  	v2 =	vld [tilespmem:$0x2D0];
	_ =	sdelay $0x7  }
0x18a: {  	[tilespmem:v2+s10+$0x0] =	vst.idx.add.f32.msk $0xffff, v1  }
0x18b: {  	v2 =	vld [tilespmem:$0x2E0];
	_ =	sdelay $0x7  }
0x18c: {  	[tilespmem:v2+s10+$0x0] =	vst.idx.add.f32.msk $0xffff, v1  }
0x18d: {  	v2 =	vld [tilespmem:$0x2F0];
	_ =	sdelay $0x7  }
0x18e: {  	[tilespmem:v2+s10+$0x0] =	vst.idx.add.f32.msk $0xffff, v1  }
0x18f: {  	_ =	swait.ge [sflag:s16], $0x4000  }
0x190: {  	[sflag:s16] =	ssyncset.done $0x0  }
0x191: {  	s20 =	simm.s32 $0xAC00;
	s18 =	rddreg [dreg:$0x1b];
	[sflag:s16] =	ssyncadd.s32 $0xFFFFC000  }
0x192: {  	[tilespmem:s20], [sflag:$0xA] =	stream.linear.gather [hbm4b:s18+s4], $0x10, $0x38;
	[tilespmem:$0x1F420] =	vst v63  }
0x193: {  	_ =	swait.ge [sflag:s19], $0x10  }
0x194: {  	[sflag:s19] =	ssyncset.done $0x0  }
0x195: {  	s22 =	simm.s32 $0xAC10;
	s18 =	rddreg [dreg:$0x1a];
	[sflag:s19] =	ssyncadd.s32 $0xFFFFFFF0  }
0x196: {  	[tilespmem:s22], [sflag:$0xA] =	stream.linear.gather [hbm4b:s18+s4], $0x10, $0x38;
	[tilespmem:$0x1F420] =	vst v63  }
0x197: {  	_ =	swait.ge [sflag:s19], $0x10  }
0x198: {  	[sflag:s19] =	ssyncset.done $0x0  }
0x199: {  	[sflag:s19] =	ssyncadd.s32 $0xFFFFFFF0  }
0x19a: {  	[tilespmem:s24], [sflag:$0x9] =	stream.indirect.gather [hbm4b:s1+s23], $0x80, s20, s23, $0xb8;
	[tilespmem:$0x1F420] =	vst v63  }
0x19b: {  	_ =	swait.ge [sflag:s2], $0x800  }
0x19c: {  	[sflag:s2] =	ssyncset.done $0x0  }
0x19d: {  	[sflag:s2] =	ssyncadd.s32 $0xFFFFF800  }
0x19e: {  	[spmem:s3] =	stream.indirect.scatter.add.f32 [tilespmem:s24], [sflag:$0xA], $0x80, s22, s23, $0xb8;
	[tilespmem:$0x1F420] =	vst v63  }
0x19f: {  	_ =	swait.ge [sflag:s19], $0x800  }
0x1a0: {  	[sflag:s19] =	ssyncset.done $0x0  }
0x1a1: {  	[sflag:s19] =	ssyncadd.s32 $0xFFFFF800  }
0x1a2: {  	v2 =	vld [tilespmem:$0xAC10];
	_ =	sdelay $0x7  }
0x1a3: {  	s22 =	rddreg [dreg:$0x1d];
	[tilespmem:v2+s10+$0x0] =	vst.idx.add.f32.msk $0xffff, v1  }
0x1a4: {  	[hbm4b:s22+s4] =	stream.linear.scatter [tilespmem:s10], [sflag:$0xA], $0x2800, $0x38;
	[tilespmem:$0x1F420] =	vst v63  }
0x1a5: {  	_ =	swait.ge [sflag:s19], $0x2800  }
0x1a6: {  	[sflag:s19] =	ssyncset.done $0x0  }
0x1a7: {  	[sflag:s19] =	ssyncadd.s32 $0xFFFFD800  }
0x1a8: {  	[bflag:$0x0] =	sbarrier.arrive $0xFFFF  }
0x1a9: {  	s20 =	rddreg [dreg:$0x1c]  }
0x1aa: {  	s22 =	rddreg [dreg:$0x1e];
	s18 =	sor.u32 $0x1C0A, s20  }
0x1ab: {  	[hbm:s22], [sflag:s18] =	dma.local [spmem:s26], $0x2800  }
0x1ac: {  	_ =	swait.ge [sflag:s19], $0x2800  }
0x1ad: {  	s25 =	sadd.s32 $0x1, s25;
	s26 =	rddreg [dreg:$0x1f]  }
0x1ae: {  	p0 =	sne.s32 s25, s26  }
.Ltmp2:
0x1af: {  	_ = 	snop;
	(pc) =	sbr.rel @p0 .LBB2_1-.Ltmp2, $3  }
0x1b0: {  	_ =	sdelay $0x1  }
0x1b1: {  	[sflag:s19] =	ssyncset.done $0x0  }
0x1b2: {  	[sflag:s19] =	ssyncadd.s32 $0xFFFFD800  }
0x1b3: {  	_ =	sfence.sel $0x180000  }
0x1b4: {  	[bflag:$0x0] =	sbarrier.arrive $0xFFFF  }
0x1b5: {  	_ =	strace $0x90000047  }
0x1b6: {  	s0 =	stileid.u32;
	[bflag:$0x2] =	sbarrier.arrive $0xFFFF  }
0x1b7: {  	p0 =	sne.s32 s0, $0x0;
	s0 =	rddreg [dreg:$0x4]  }
0x1b8: {  	s0 =	sadd.s32 @!p0 $0x100000, s0  }
0x1b9: {  	[sflag:s0] =	ssyncadd.tile.s32 @!p0 $0x1;
	_ =	shalt  }
.Lfunc_end2:
_tile_overlayer_lowered:
.L_overlay_start_2:
0x1ba: {  	(tag) =	ssettag $0x2  }
0x1bb: {  	s0 =	rddreg [dreg:$0x0];
	s2 =	stileid.u32  }
0x1bc: {  	s1 =	rddreg [dreg:$0x1];
	p0 =	sne.s32 s2, $0x0  }
0x1bd: {  	s3 =	rddreg [dreg:$0x2];
	[bflag:$0x3] =	sbarrier.arrive $0xFFFF;
	s2 =	simm.s32 @!p0 $0x1C0A  }
0x1be: {  	[timem:s3], [sflag:s2] =	dma.local @!p0 [hbm:s0], s1  }
0x1bf: {  	s0 =	simm.s32 @!p0 $0xA  }
0x1c0: {  	_ =	swait.ge @!p0 [sflag:s0], s1  }
0x1c1: {  	s1 =	ssub.s32 @!p0 $0x0, s1;
	[sflag:s0] =	ssyncset.done @!p0 $0x0  }
0x1c2: {  	[sflag:s0] =	ssyncadd.s32 @!p0 s1  }
0x1c3: {  	[bflag:$0x3] =	sbarrier.arrive $0xFFFF  }
0x1c4: {  	_ =	shalt  }

</sc_bundles>
